<compile_context>
chip_gen: v7x
topology: tpu7x:2x2x1
jax: 0.10.2.dev20260603
libtpu: 0.0.44.dev20260713+nightly
codegen_flags: <defaults>
</compile_context>

<pallas_src>
import functools

import jax
import jax.numpy as jnp
from jax import lax
from jax.experimental import pallas as pl
from jax.experimental.pallas import tpu as pltpu
from jax.experimental.pallas import tpu_sc as plsc

_MARGIN = 0.01
_BIG = 1e30

_B, _N, _K = 16, 2048, 256
_NC, _NS, _L = 2, 16, 16
_NW = _NC * _NS
_HALF = _K // _NC
_NV = _N // _L
_KV = _HALF // _L
_UNR = 2
_NSEG = 4
_PIVOTS = (-0.6745, 0.0, 0.6745)
_SP_SEG = _N + 6 * _L
_T_SEG = _HALF + 3 * _L


def _seg_masks(x, base):
    lo1 = x < _PIVOTS[0]
    lo2 = x < _PIVOTS[1]
    lo3 = x < _PIVOTS[2]
    return (base & lo1,
            base & (~lo1) & lo2,
            base & (~lo2) & lo3,
            base & (~lo3))


def _worker_body(scores_hbm, maskf_hbm, idx_hbm,
                 out_hbm,
                 s_v, m_v, sp_v, idx_v, t_v, ol_v, op_v,
                 cnt_sm, sum_sm,
                 sem_s, sem_m, sem_i):
    c = lax.axis_index("c")
    s = lax.axis_index("s")
    wid = s * _NC + c
    row = s
    half = c

    def _score_cp(ch):
        return pltpu.make_async_copy(
            scores_hbm.at[row, pl.ds(ch * 128, 128)],
            s_v.at[pl.ds(ch * 128, 128)], sem_s)

    def _mask_cp(ch):
        return pltpu.make_async_copy(
            maskf_hbm.at[row, pl.ds(ch * 128, 128)],
            m_v.at[pl.ds(ch * 128, 128)], sem_m)

    def _idx_cp(ch):
        return pltpu.make_async_copy(
            idx_hbm.at[row, pl.ds(ch * 128, 128)],
            idx_v.at[pl.ds(ch * 128, 128)], sem_i)

    def dstart(ch, _):
        _score_cp(ch).start()
        _mask_cp(ch).start()
        return 0

    lax.fori_loop(0, _N // 128, dstart, 0)
    for ch in range(_K // 128):
        _idx_cp(ch).start()
    for ch in range(_K // 128):
        _idx_cp(ch).wait()

    pltpu.make_async_copy(scores_hbm.at[row], s_v, sem_s).wait()
    pltpu.make_async_copy(maskf_hbm.at[row], m_v, sem_m).wait()

    zeros = jnp.zeros((_L,), jnp.float32)
    bigs = jnp.full((_L,), _BIG, jnp.float32)
    nbigs = jnp.full((_L,), -_BIG, jnp.float32)
    full = bigs > 0.0
    i0 = jnp.int32(0)

    def tbody(j, carry):
        offs, sums = carry
        eidx = idx_v[pl.ds(half * _HALF + j * _L, _L)]
        es = plsc.load_gather(s_v, [eidx])
        ew = plsc.load_gather(m_v, [eidx])
        t = es + _MARGIN
        offs = list(offs)
        sums = list(sums)
        for g, mg in enumerate(_seg_masks(t, ew > 0.0)):
            plsc.store_compressed(
                t_v.at[pl.ds(g * _T_SEG + offs[g], _L)], t, mask=mg)
            offs[g] = offs[g] + plsc.all_reduce_population_count(mg)[0]
            sums[g] = sums[g] + jnp.where(mg, t, 0.0)
        return tuple(offs), tuple(sums)

    (ecnt, tsumv) = lax.fori_loop(
        0, _KV, tbody, ((i0,) * _NSEG, (zeros,) * _NSEG))

    def kbody0(j, _):
        iv = idx_v[pl.ds(j * _L, _L)]
        plsc.store_scatter(m_v, [iv], zeros)
        return 0

    lax.fori_loop(0, _K // _L, kbody0, 0)

    def sbody(i, carry):
        offs, sums = carry
        offs = list(offs)
        sums = list(sums)
        for h in range(2):
            sl = s_v[pl.ds(i * 2 * _L + h * _L, _L)]
            ml = m_v[pl.ds(i * 2 * _L + h * _L, _L)]
            for g, mg in enumerate(_seg_masks(sl, ml > 0.0)):
                plsc.store_compressed(
                    sp_v.at[pl.ds(g * _SP_SEG + offs[g], _L)], sl, mask=mg)
                offs[g] = offs[g] + plsc.all_reduce_population_count(mg)[0]
                sums[g] = sums[g] + jnp.where(mg, sl, 0.0)
        return tuple(offs), tuple(sums)

    (scnt, ssumv) = lax.fori_loop(
        0, _NV // 2, sbody, ((i0,) * _NSEG, (zeros,) * _NSEG))

    for g in range(_NSEG):
        cnt_sm[g] = ecnt[g]
        cnt_sm[_NSEG + g] = scnt[g]
        sum_sm[g] = jnp.sum(tsumv[g])
        sum_sm[_NSEG + g] = jnp.sum(ssumv[g])

    def fillb(g, _):
        ec = cnt_sm[g]
        for k in range(2):
            plsc.store_compressed(
                t_v.at[pl.ds(g * _T_SEG + ec + k * _L, _L)], nbigs, mask=full)
        sc = cnt_sm[_NSEG + g]
        for k in range(_UNR + 1):
            plsc.store_compressed(
                sp_v.at[pl.ds(g * _SP_SEG + sc + k * _L, _L)], bigs, mask=full)
        return 0

    lax.fori_loop(0, _NSEG, fillb, 0)

    def segb(g, carry):
        accs, bulk, run_cnt, run_sum = carry
        ec = cnt_sm[g]
        sc = cnt_sm[_NSEG + g]
        tsum_g = sum_sm[g]
        ssum_g = sum_sm[_NSEG + g]
        bulk = bulk + run_cnt * tsum_g - ec.astype(jnp.float32) * run_sum
        run_cnt = run_cnt + sc.astype(jnp.float32)
        run_sum = run_sum + ssum_g

        kv = (ec + _L - 1) // _L
        nv = (sc + _UNR * _L - 1) // (_UNR * _L)
        tbase = g * _T_SEG
        spbase = g * _SP_SEG

        def kbody(r, kaccs):
            tvec = t_v[pl.ds(tbase + r * _L, _L)]
            ts = [tvec[l] for l in range(_L)]

            def ibody(i, iaccs):
                iaccs = list(iaccs)
                for q in range(_UNR):
                    sp = sp_v[pl.ds(spbase + i * (_UNR * _L) + q * _L, _L)]
                    for l in range(_L):
                        a = (q * _L + l) % _UNR
                        iaccs[a] = iaccs[a] + jnp.maximum(ts[l] - sp, 0.0)
                return tuple(iaccs)

            return lax.fori_loop(0, nv, ibody, kaccs)

        accs = lax.fori_loop(0, kv, kbody, accs)
        return accs, bulk, run_cnt, run_sum

    accs, bulk, run_cnt, run_sum = lax.fori_loop(
        0, _NSEG, segb,
        ((zeros,) * _UNR, jnp.float32(0.0), jnp.float32(0.0), jnp.float32(0.0)))

    acc = accs[0]
    for a in accs[1:]:
        acc = acc + a

    loss = jnp.sum(acc) + bulk
    tot_e = ecnt[0] + ecnt[1] + ecnt[2] + ecnt[3]
    pairs = tot_e.astype(jnp.float32) * run_cnt
    ol_v[...] = jnp.full((_L,), 1.0 / _L, jnp.float32) * loss
    op_v[...] = jnp.full((_L,), 1.0 / _L, jnp.float32) * pairs
    pltpu.sync_copy(ol_v, out_hbm.at[pl.ds(wid * _L, _L)])
    pltpu.sync_copy(op_v, out_hbm.at[pl.ds(_NW * _L + wid * _L, _L)])


_sc_call = functools.partial(
    pl.kernel,
    out_type=jax.ShapeDtypeStruct((2 * _NW * _L,), jnp.float32),
    mesh=plsc.VectorSubcoreMesh(core_axis_name="c", subcore_axis_name="s"),
    compiler_params=pltpu.CompilerParams(needs_layout_passes=False),
    scratch_types=[
        pltpu.VMEM((_N,), jnp.float32),
        pltpu.VMEM((_N,), jnp.float32),
        pltpu.VMEM((_NSEG * _SP_SEG,), jnp.float32),
        pltpu.VMEM((_K,), jnp.int32),
        pltpu.VMEM((_NSEG * _T_SEG,), jnp.float32),
        pltpu.VMEM((_L,), jnp.float32),
        pltpu.VMEM((_L,), jnp.float32),
        pltpu.SMEM((2 * _NSEG,), jnp.int32),
        pltpu.SMEM((2 * _NSEG,), jnp.float32),
        pltpu.SemaphoreType.DMA,
        pltpu.SemaphoreType.DMA,
        pltpu.SemaphoreType.DMA,
    ],
)(_worker_body)


def kernel(total_scores, eliminated_idx_list, mask):
    maskf = mask.astype(jnp.float32)
    out = _sc_call(total_scores, maskf, eliminated_idx_list)
    total_loss = out[:_NW * _L].sum()
    total_pairs = out[_NW * _L:].sum()
    return jnp.where(total_pairs > 0, total_loss / total_pairs, total_loss)

# --- scband reference (transcript-rebuilt; emitter-appended) ---
"""Pipeline reference for scband-percentage-elimination-loss-22960895164702 (READ-ONLY COPY).

The authoritative reference and input builder live on the scoring server;
editing this copy changes nothing except your own understanding.
"""

import jax, jax.numpy as jnp
import numpy as np

MARGIN = 0.01


def setup_inputs(seed: int = 0) -> dict:
    key = jax.random.key(seed)
    k1, k2, k3 = jax.random.split(key, 3)
    B, N, K = 16, 2048, 256
    total_scores = jax.random.normal(k1, (B, N), dtype=jnp.float32)
    eliminated_idx_list = jax.random.randint(k2, (B, K), 0, N, dtype=jnp.int32)
    mask = jax.random.randint(k3, (B, N), 0, 2, dtype=jnp.int32) > 0
    return {"total_scores": total_scores, "eliminated_idx_list": eliminated_idx_list, "mask": mask}


def reference(total_scores, eliminated_idx_list, mask):
    # Faithful vectorized translation of the per-row loop:
    #   eliminated = listed indices that are valid under mask
    #   survivors  = valid positions not present in the eliminated list
    #   loss += relu(s_elim[:,None] - s_surv[None,:] + margin).sum()
    #   pairs += len(eliminated) * len(survivors)
    B, N = total_scores.shape
    batch_idx = jnp.arange(B)[:, None]
    # scatter-overwrite: mark every listed index per row
    in_list = jnp.zeros((B, N), dtype=bool).at[batch_idx, eliminated_idx_list].set(True)
    # gather: validity weight and scores of each listed (possibly duplicated) index
    elim_w = jnp.take_along_axis(mask, eliminated_idx_list, axis=1).astype(jnp.float32)  # [B, K]
    scores_elim = jnp.take_along_axis(total_scores, eliminated_idx_list, axis=1)          # [B, K]
    surv_w = (mask & (~in_list)).astype(jnp.float32)                                      # [B, N]
    pairwise = jax.nn.relu(scores_elim[:, :, None] - total_scores[:, None, :] + MARGIN)   # [B, K, N]
    weighted = pairwise * elim_w[:, :, None] * surv_w[:, None, :]
    total_loss = weighted.sum()
    total_pairs = (elim_w.sum(axis=1) * surv_w.sum(axis=1)).sum()
    return jnp.where(total_pairs > 0, total_loss / total_pairs, total_loss)

if __name__ == "__main__":
    import jax
    _d = setup_inputs()
    print(jax.jit(kernel)(*tuple(_d.values())))

</pallas_src>

<mosaic_0001>
#map = affine_map<(d0, d1) -> (0, 0)>
#map1 = affine_map<(d0, d1) -> (0)>
module attributes {stable_mosaic.version = 14 : i64} {
  func.func @_worker_body(%arg0: i32, %arg1: i32, %arg2: memref<16x2048xf32, #tpu.memory_space<hbm>>, %arg3: memref<16x2048xf32, #tpu.memory_space<hbm>>, %arg4: memref<16x256xi32, #tpu.memory_space<hbm>>, %arg5: memref<1024xf32, #tpu.memory_space<hbm>>, %arg6: memref<2048xf32, #tpu.memory_space<vmem>>, %arg7: memref<2048xf32, #tpu.memory_space<vmem>>, %arg8: memref<8576xf32, #tpu.memory_space<vmem>>, %arg9: memref<256xi32, #tpu.memory_space<vmem>>, %arg10: memref<704xf32, #tpu.memory_space<vmem>>, %arg11: memref<16xf32, #tpu.memory_space<vmem>>, %arg12: memref<16xf32, #tpu.memory_space<vmem>>, %arg13: memref<8xi32, #tpu.memory_space<smem>>, %arg14: memref<8xf32, #tpu.memory_space<smem>>, %arg15: memref<!tpu.dma_semaphore, #tpu.memory_space<semaphore_mem>>, %arg16: memref<!tpu.dma_semaphore, #tpu.memory_space<semaphore_mem>>, %arg17: memref<!tpu.dma_semaphore, #tpu.memory_space<semaphore_mem>>) attributes {dimension_semantics = [#tpu.dimension_semantics<core_parallel>, #tpu.dimension_semantics<subcore_parallel>], iteration_bounds = array<i64: 2, 16>, scalar_prefetch = 0 : i64, scratch_operands = 12 : i64, tpu.core_type = #tpu.core_type<sc_vector_subcore>, window_params = [{transform_indices = #map}, {transform_indices = #map}, {transform_indices = #map}, {transform_indices = #map1}]} {
    %mul3A = arith.constant 2 : i32
    %mul3A_0 = arith.muli %arg1, %mul3A : i32
    %add3A = arith.addi %mul3A_0, %arg0 : i32
    %scan3A = arith.constant 0 : i32
    %scan3A_1 = arith.constant 0 : i32
    %scan3A_2 = arith.constant 16 : i32
    %scan3A_3 = arith.addi %scan3A_1, %scan3A_2 : i32
    %scan3A_4 = arith.constant 1 : i32
    %scan3A_5 = scf.for %scan3A_213 = %scan3A_1 to %scan3A_3 step %scan3A_4 iter_args(%scan3A_214 = %scan3A) -> (i32)  : i32 {
      %mul3A_215 = arith.constant 128 : i32
      %mul3A_216 = arith.muli %scan3A_213, %mul3A_215 : i32
      %mul3A_217 = arith.constant 128 : i32
      %mul3A_218 = arith.muli %scan3A_213, %mul3A_217 : i32
      %dma_start3A_219 = tpu.memref_slice %arg6[%mul3A_218] : memref<2048xf32, #tpu.memory_space<vmem>> -> memref<128xf32, #tpu.memory_space<vmem>>
      %dma_start3A_220 = tpu.memref_slice %arg2[%arg1, %mul3A_216] : memref<16x2048xf32, #tpu.memory_space<hbm>> -> memref<1x128xf32, #tpu.memory_space<hbm>>
      %dma_start3A_221 = tpu.memref_squeeze %dma_start3A_220 : memref<1x128xf32, #tpu.memory_space<hbm>> -> memref<128xf32, #tpu.memory_space<hbm>>
      %dma_start3A_222 = tpu.memref_slice %arg6[%mul3A_218] : memref<2048xf32, #tpu.memory_space<vmem>> -> memref<128xf32, #tpu.memory_space<vmem>>
      %dma_start3A_223 = tpu.memref_slice %arg2[%arg1, %mul3A_216] : memref<16x2048xf32, #tpu.memory_space<hbm>> -> memref<1x128xf32, #tpu.memory_space<hbm>>
      %dma_start3A_224 = tpu.memref_squeeze %dma_start3A_223 : memref<1x128xf32, #tpu.memory_space<hbm>> -> memref<128xf32, #tpu.memory_space<hbm>>
      tpu.enqueue_dma source(%dma_start3A_224 : memref<128xf32, #tpu.memory_space<hbm>>) target(%dma_start3A_222 : memref<128xf32, #tpu.memory_space<vmem>>) target_semaphore(%arg15 : memref<!tpu.dma_semaphore, #tpu.memory_space<semaphore_mem>>)
      %mul3A_225 = arith.constant 128 : i32
      %mul3A_226 = arith.muli %scan3A_213, %mul3A_225 : i32
      %mul3A_227 = arith.constant 128 : i32
      %mul3A_228 = arith.muli %scan3A_213, %mul3A_227 : i32
      %dma_start3A_229 = tpu.memref_slice %arg7[%mul3A_228] : memref<2048xf32, #tpu.memory_space<vmem>> -> memref<128xf32, #tpu.memory_space<vmem>>
      %dma_start3A_230 = tpu.memref_slice %arg3[%arg1, %mul3A_226] : memref<16x2048xf32, #tpu.memory_space<hbm>> -> memref<1x128xf32, #tpu.memory_space<hbm>>
      %dma_start3A_231 = tpu.memref_squeeze %dma_start3A_230 : memref<1x128xf32, #tpu.memory_space<hbm>> -> memref<128xf32, #tpu.memory_space<hbm>>
      %dma_start3A_232 = tpu.memref_slice %arg7[%mul3A_228] : memref<2048xf32, #tpu.memory_space<vmem>> -> memref<128xf32, #tpu.memory_space<vmem>>
      %dma_start3A_233 = tpu.memref_slice %arg3[%arg1, %mul3A_226] : memref<16x2048xf32, #tpu.memory_space<hbm>> -> memref<1x128xf32, #tpu.memory_space<hbm>>
      %dma_start3A_234 = tpu.memref_squeeze %dma_start3A_233 : memref<1x128xf32, #tpu.memory_space<hbm>> -> memref<128xf32, #tpu.memory_space<hbm>>
      tpu.enqueue_dma source(%dma_start3A_234 : memref<128xf32, #tpu.memory_space<hbm>>) target(%dma_start3A_232 : memref<128xf32, #tpu.memory_space<vmem>>) target_semaphore(%arg16 : memref<!tpu.dma_semaphore, #tpu.memory_space<semaphore_mem>>)
      %scan3A_235 = arith.constant 0 : i32
      scf.yield %scan3A_235 : i32
    }
    %scan3A_6 = arith.constant 16 : i32
    %dma_start3A = arith.constant 0 : i32
    %dma_start3A_7 = tpu.memref_slice %arg9[%dma_start3A] : memref<256xi32, #tpu.memory_space<vmem>> -> memref<128xi32, #tpu.memory_space<vmem>>
    %dma_start3A_8 = arith.constant 0 : i32
    %dma_start3A_9 = tpu.memref_slice %arg4[%arg1, %dma_start3A_8] : memref<16x256xi32, #tpu.memory_space<hbm>> -> memref<1x128xi32, #tpu.memory_space<hbm>>
    %dma_start3A_10 = tpu.memref_squeeze %dma_start3A_9 : memref<1x128xi32, #tpu.memory_space<hbm>> -> memref<128xi32, #tpu.memory_space<hbm>>
    %dma_start3A_11 = arith.constant 0 : i32
    %dma_start3A_12 = tpu.memref_slice %arg9[%dma_start3A_11] : memref<256xi32, #tpu.memory_space<vmem>> -> memref<128xi32, #tpu.memory_space<vmem>>
    %dma_start3A_13 = arith.constant 0 : i32
    %dma_start3A_14 = tpu.memref_slice %arg4[%arg1, %dma_start3A_13] : memref<16x256xi32, #tpu.memory_space<hbm>> -> memref<1x128xi32, #tpu.memory_space<hbm>>
    %dma_start3A_15 = tpu.memref_squeeze %dma_start3A_14 : memref<1x128xi32, #tpu.memory_space<hbm>> -> memref<128xi32, #tpu.memory_space<hbm>>
    tpu.enqueue_dma source(%dma_start3A_15 : memref<128xi32, #tpu.memory_space<hbm>>) target(%dma_start3A_12 : memref<128xi32, #tpu.memory_space<vmem>>) target_semaphore(%arg17 : memref<!tpu.dma_semaphore, #tpu.memory_space<semaphore_mem>>)
    %dma_start3A_16 = arith.constant 128 : i32
    %dma_start3A_17 = tpu.memref_slice %arg9[%dma_start3A_16] : memref<256xi32, #tpu.memory_space<vmem>> -> memref<128xi32, #tpu.memory_space<vmem>>
    %dma_start3A_18 = arith.constant 128 : i32
    %dma_start3A_19 = tpu.memref_slice %arg4[%arg1, %dma_start3A_18] : memref<16x256xi32, #tpu.memory_space<hbm>> -> memref<1x128xi32, #tpu.memory_space<hbm>>
    %dma_start3A_20 = tpu.memref_squeeze %dma_start3A_19 : memref<1x128xi32, #tpu.memory_space<hbm>> -> memref<128xi32, #tpu.memory_space<hbm>>
    %dma_start3A_21 = arith.constant 128 : i32
    %dma_start3A_22 = tpu.memref_slice %arg9[%dma_start3A_21] : memref<256xi32, #tpu.memory_space<vmem>> -> memref<128xi32, #tpu.memory_space<vmem>>
    %dma_start3A_23 = arith.constant 128 : i32
    %dma_start3A_24 = tpu.memref_slice %arg4[%arg1, %dma_start3A_23] : memref<16x256xi32, #tpu.memory_space<hbm>> -> memref<1x128xi32, #tpu.memory_space<hbm>>
    %dma_start3A_25 = tpu.memref_squeeze %dma_start3A_24 : memref<1x128xi32, #tpu.memory_space<hbm>> -> memref<128xi32, #tpu.memory_space<hbm>>
    tpu.enqueue_dma source(%dma_start3A_25 : memref<128xi32, #tpu.memory_space<hbm>>) target(%dma_start3A_22 : memref<128xi32, #tpu.memory_space<vmem>>) target_semaphore(%arg17 : memref<!tpu.dma_semaphore, #tpu.memory_space<semaphore_mem>>)
    %dma_wait3A = arith.constant 0 : i32
    %dma_wait3A_26 = tpu.memref_slice %arg9[%dma_wait3A] : memref<256xi32, #tpu.memory_space<vmem>> -> memref<128xi32, #tpu.memory_space<vmem>>
    %dma_wait3A_27 = arith.constant 0 : i32
    %dma_wait3A_28 = tpu.memref_slice %arg4[%arg1, %dma_wait3A_27] : memref<16x256xi32, #tpu.memory_space<hbm>> -> memref<1x128xi32, #tpu.memory_space<hbm>>
    %dma_wait3A_29 = tpu.memref_squeeze %dma_wait3A_28 : memref<1x128xi32, #tpu.memory_space<hbm>> -> memref<128xi32, #tpu.memory_space<hbm>>
    %dma_wait3A_30 = arith.constant 0 : i32
    %dma_wait3A_31 = tpu.memref_slice %arg9[%dma_wait3A_30] : memref<256xi32, #tpu.memory_space<vmem>> -> memref<128xi32, #tpu.memory_space<vmem>>
    %dma_wait3A_32 = arith.constant 0 : i32
    %dma_wait3A_33 = tpu.memref_slice %arg4[%arg1, %dma_wait3A_32] : memref<16x256xi32, #tpu.memory_space<hbm>> -> memref<1x128xi32, #tpu.memory_space<hbm>>
    %dma_wait3A_34 = tpu.memref_squeeze %dma_wait3A_33 : memref<1x128xi32, #tpu.memory_space<hbm>> -> memref<128xi32, #tpu.memory_space<hbm>>
    tpu.wait_dma2 semaphore(%arg17 : memref<!tpu.dma_semaphore, #tpu.memory_space<semaphore_mem>>) src(%dma_wait3A_34 : memref<128xi32, #tpu.memory_space<hbm>>) dst(%dma_wait3A_31 : memref<128xi32, #tpu.memory_space<vmem>>)
    %dma_wait3A_35 = arith.constant 128 : i32
    %dma_wait3A_36 = tpu.memref_slice %arg9[%dma_wait3A_35] : memref<256xi32, #tpu.memory_space<vmem>> -> memref<128xi32, #tpu.memory_space<vmem>>
    %dma_wait3A_37 = arith.constant 128 : i32
    %dma_wait3A_38 = tpu.memref_slice %arg4[%arg1, %dma_wait3A_37] : memref<16x256xi32, #tpu.memory_space<hbm>> -> memref<1x128xi32, #tpu.memory_space<hbm>>
    %dma_wait3A_39 = tpu.memref_squeeze %dma_wait3A_38 : memref<1x128xi32, #tpu.memory_space<hbm>> -> memref<128xi32, #tpu.memory_space<hbm>>
    %dma_wait3A_40 = arith.constant 128 : i32
    %dma_wait3A_41 = tpu.memref_slice %arg9[%dma_wait3A_40] : memref<256xi32, #tpu.memory_space<vmem>> -> memref<128xi32, #tpu.memory_space<vmem>>
    %dma_wait3A_42 = arith.constant 128 : i32
    %dma_wait3A_43 = tpu.memref_slice %arg4[%arg1, %dma_wait3A_42] : memref<16x256xi32, #tpu.memory_space<hbm>> -> memref<1x128xi32, #tpu.memory_space<hbm>>
    %dma_wait3A_44 = tpu.memref_squeeze %dma_wait3A_43 : memref<1x128xi32, #tpu.memory_space<hbm>> -> memref<128xi32, #tpu.memory_space<hbm>>
    tpu.wait_dma2 semaphore(%arg17 : memref<!tpu.dma_semaphore, #tpu.memory_space<semaphore_mem>>) src(%dma_wait3A_44 : memref<128xi32, #tpu.memory_space<hbm>>) dst(%dma_wait3A_41 : memref<128xi32, #tpu.memory_space<vmem>>)
    %dma_wait3A_45 = arith.constant 0 : i32
    %dma_wait3A_46 = tpu.memref_slice %arg2[%arg1, %dma_wait3A_45] : memref<16x2048xf32, #tpu.memory_space<hbm>> -> memref<1x2048xf32, #tpu.memory_space<hbm>>
    %dma_wait3A_47 = tpu.memref_squeeze %dma_wait3A_46 : memref<1x2048xf32, #tpu.memory_space<hbm>> -> memref<2048xf32, #tpu.memory_space<hbm>>
    %dma_wait3A_48 = arith.constant 0 : i32
    %dma_wait3A_49 = tpu.memref_slice %arg2[%arg1, %dma_wait3A_48] : memref<16x2048xf32, #tpu.memory_space<hbm>> -> memref<1x2048xf32, #tpu.memory_space<hbm>>
    %dma_wait3A_50 = tpu.memref_squeeze %dma_wait3A_49 : memref<1x2048xf32, #tpu.memory_space<hbm>> -> memref<2048xf32, #tpu.memory_space<hbm>>
    tpu.wait_dma2 semaphore(%arg15 : memref<!tpu.dma_semaphore, #tpu.memory_space<semaphore_mem>>) src(%dma_wait3A_50 : memref<2048xf32, #tpu.memory_space<hbm>>) dst(%arg6 : memref<2048xf32, #tpu.memory_space<vmem>>)
    %dma_wait3A_51 = arith.constant 0 : i32
    %dma_wait3A_52 = tpu.memref_slice %arg3[%arg1, %dma_wait3A_51] : memref<16x2048xf32, #tpu.memory_space<hbm>> -> memref<1x2048xf32, #tpu.memory_space<hbm>>
    %dma_wait3A_53 = tpu.memref_squeeze %dma_wait3A_52 : memref<1x2048xf32, #tpu.memory_space<hbm>> -> memref<2048xf32, #tpu.memory_space<hbm>>
    %dma_wait3A_54 = arith.constant 0 : i32
    %dma_wait3A_55 = tpu.memref_slice %arg3[%arg1, %dma_wait3A_54] : memref<16x2048xf32, #tpu.memory_space<hbm>> -> memref<1x2048xf32, #tpu.memory_space<hbm>>
    %dma_wait3A_56 = tpu.memref_squeeze %dma_wait3A_55 : memref<1x2048xf32, #tpu.memory_space<hbm>> -> memref<2048xf32, #tpu.memory_space<hbm>>
    tpu.wait_dma2 semaphore(%arg16 : memref<!tpu.dma_semaphore, #tpu.memory_space<semaphore_mem>>) src(%dma_wait3A_56 : memref<2048xf32, #tpu.memory_space<hbm>>) dst(%arg7 : memref<2048xf32, #tpu.memory_space<vmem>>)
    %broadcast_in_dim3A = arith.constant 0.000000e+00 : f32
    %broadcast_in_dim3A_57 = vector.broadcast %broadcast_in_dim3A : f32 to vector<16xf32>
    %broadcast_in_dim3A_58 = arith.constant 1.000000e+30 : f32
    %broadcast_in_dim3A_59 = vector.broadcast %broadcast_in_dim3A_58 : f32 to vector<16xf32>
    %broadcast_in_dim3A_60 = arith.constant -1.000000e+30 : f32
    %broadcast_in_dim3A_61 = vector.broadcast %broadcast_in_dim3A_60 : f32 to vector<16xf32>
    %gt3A = arith.constant 0.000000e+00 : f32
    %gt3A_62 = vector.broadcast %gt3A : f32 to vector<16xf32>
    %gt3A_63 = arith.cmpf ogt, %broadcast_in_dim3A_59, %gt3A_62 : vector<16xf32>
    %scan3A_64 = arith.constant 0 : i32
    %scan3A_65 = arith.constant 0 : i32
    %scan3A_66 = arith.constant 0 : i32
    %scan3A_67 = arith.constant 0 : i32
    %scan3A_68 = arith.constant 0 : i32
    %scan3A_69 = arith.constant 8 : i32
    %scan3A_70 = arith.addi %scan3A_68, %scan3A_69 : i32
    %scan3A_71 = arith.constant 1 : i32
    %scan3A_72:8 = scf.for %scan3A_213 = %scan3A_68 to %scan3A_70 step %scan3A_71 iter_args(%scan3A_214 = %scan3A_64, %scan3A_215 = %scan3A_65, %scan3A_216 = %scan3A_66, %scan3A_217 = %scan3A_67, %scan3A_218 = %broadcast_in_dim3A_57, %scan3A_219 = %broadcast_in_dim3A_57, %scan3A_220 = %broadcast_in_dim3A_57, %scan3A_221 = %broadcast_in_dim3A_57) -> (i32, i32, i32, i32, vector<16xf32>, vector<16xf32>, vector<16xf32>, vector<16xf32>)  : i32 {
      %mul3A_222 = arith.constant 128 : i32
      %mul3A_223 = arith.muli %arg0, %mul3A_222 : i32
      %mul3A_224 = arith.constant 16 : i32
      %mul3A_225 = arith.muli %scan3A_213, %mul3A_224 : i32
      %add3A_226 = arith.addi %mul3A_223, %mul3A_225 : i32
      %get3A = arith.index_cast %add3A_226 : i32 to index
      %get3A_227 = tpu.vector_load %arg9[%get3A] {strides = array<i32>} : memref<256xi32, #tpu.memory_space<vmem>>, vector<16xi32>,
      %gather3A = tpu.vector_load_idx %arg6[%get3A_227] : memref<2048xf32, #tpu.memory_space<vmem>>[vector<16xi32>], vector<16xf32>,
      %gather3A_228 = tpu.vector_load_idx %arg7[%get3A_227] : memref<2048xf32, #tpu.memory_space<vmem>>[vector<16xi32>], vector<16xf32>,
      %add3A_229 = arith.constant 0.00999999977 : f32
      %add3A_230 = vector.broadcast %add3A_229 : f32 to vector<16xf32>
      %add3A_231 = arith.addf %gather3A, %add3A_230 : vector<16xf32>
      %gt3A_232 = arith.constant 0.000000e+00 : f32
      %gt3A_233 = vector.broadcast %gt3A_232 : f32 to vector<16xf32>
      %gt3A_234 = arith.cmpf ogt, %gather3A_228, %gt3A_233 : vector<16xf32>
      %lt3A = arith.constant -0.674499988 : f32
      %lt3A_235 = vector.broadcast %lt3A : f32 to vector<16xf32>
      %lt3A_236 = arith.cmpf olt, %add3A_231, %lt3A_235 : vector<16xf32>
      %lt3A_237 = arith.constant 0.000000e+00 : f32
      %lt3A_238 = vector.broadcast %lt3A_237 : f32 to vector<16xf32>
      %lt3A_239 = arith.cmpf olt, %add3A_231, %lt3A_238 : vector<16xf32>
      %lt3A_240 = arith.constant 0.674499988 : f32
      %lt3A_241 = vector.broadcast %lt3A_240 : f32 to vector<16xf32>
      %lt3A_242 = arith.cmpf olt, %add3A_231, %lt3A_241 : vector<16xf32>
      %and3A = arith.andi %gt3A_234, %lt3A_236 : vector<16xi1>
      %not3A = arith.constant dense<true> : vector<16xi1>
      %not3A_243 = arith.xori %lt3A_236, %not3A : vector<16xi1>
      %and3A_244 = arith.andi %gt3A_234, %not3A_243 : vector<16xi1>
      %and3A_245 = arith.andi %and3A_244, %lt3A_239 : vector<16xi1>
      %not3A_246 = arith.constant dense<true> : vector<16xi1>
      %not3A_247 = arith.xori %lt3A_239, %not3A_246 : vector<16xi1>
      %and3A_248 = arith.andi %gt3A_234, %not3A_247 : vector<16xi1>
      %and3A_249 = arith.andi %and3A_248, %lt3A_242 : vector<16xi1>
      %not3A_250 = arith.constant dense<true> : vector<16xi1>
      %not3A_251 = arith.xori %lt3A_242, %not3A_250 : vector<16xi1>
      %and3A_252 = arith.andi %gt3A_234, %not3A_251 : vector<16xi1>
      %add3A_253 = arith.constant 0 : i32
      %add3A_254 = arith.addi %add3A_253, %scan3A_214 : i32
      %swap3A_255 = arith.index_cast %add3A_254 : i32 to index
      %swap3A_256 = tpu.vector_load %arg10[%swap3A_255] masked %and3A {strides = array<i32>} : memref<704xf32, #tpu.memory_space<vmem>>, vector<16xf32>, vector<16xi1>
      tpu.vector_store %arg10[%swap3A_255], %add3A_231 masked %and3A {strides = array<i32>} : memref<704xf32, #tpu.memory_space<vmem>>, vector<16xf32>, vector<16xi1>
      %all_reduce_population_count3A = tpu.all_reduce %and3A {dim = 0 : i64, kind = #tpu.reduction_kind<sum>} : vector<16xi1> -> vector<16xi32>
      %slice3A = vector.extract_strided_slice %all_reduce_population_count3A {offsets = [0], sizes = [1], strides = [1]} : vector<16xi32> to vector<1xi32>
      %squeeze3A = vector.extract %slice3A[0] : i32 from vector<1xi32>
      %add3A_257 = arith.addi %scan3A_214, %squeeze3A : i32
      %jit3A = arith.constant 0.000000e+00 : f32
      %broadcast_in_dim3A_258 = vector.broadcast %jit3A : f32 to vector<16xf32>
      %select_n3A = arith.select %and3A, %add3A_231, %broadcast_in_dim3A_258 : vector<16xi1>, vector<16xf32>
      %add3A_259 = arith.addf %scan3A_218, %select_n3A : vector<16xf32>
      %add3A_260 = arith.constant 176 : i32
      %add3A_261 = arith.addi %add3A_260, %scan3A_215 : i32
      %swap3A_262 = arith.index_cast %add3A_261 : i32 to index
      %swap3A_263 = tpu.vector_load %arg10[%swap3A_262] masked %and3A_245 {strides = array<i32>} : memref<704xf32, #tpu.memory_space<vmem>>, vector<16xf32>, vector<16xi1>
      tpu.vector_store %arg10[%swap3A_262], %add3A_231 masked %and3A_245 {strides = array<i32>} : memref<704xf32, #tpu.memory_space<vmem>>, vector<16xf32>, vector<16xi1>
      %all_reduce_population_count3A_264 = tpu.all_reduce %and3A_245 {dim = 0 : i64, kind = #tpu.reduction_kind<sum>} : vector<16xi1> -> vector<16xi32>
      %slice3A_265 = vector.extract_strided_slice %all_reduce_population_count3A_264 {offsets = [0], sizes = [1], strides = [1]} : vector<16xi32> to vector<1xi32>
      %squeeze3A_266 = vector.extract %slice3A_265[0] : i32 from vector<1xi32>
      %add3A_267 = arith.addi %scan3A_215, %squeeze3A_266 : i32
      %jit3A_268 = arith.constant 0.000000e+00 : f32
      %broadcast_in_dim3A_269 = vector.broadcast %jit3A_268 : f32 to vector<16xf32>
      %select_n3A_270 = arith.select %and3A_245, %add3A_231, %broadcast_in_dim3A_269 : vector<16xi1>, vector<16xf32>
      %add3A_271 = arith.addf %scan3A_219, %select_n3A_270 : vector<16xf32>
      %add3A_272 = arith.constant 352 : i32
      %add3A_273 = arith.addi %add3A_272, %scan3A_216 : i32
      %swap3A_274 = arith.index_cast %add3A_273 : i32 to index
      %swap3A_275 = tpu.vector_load %arg10[%swap3A_274] masked %and3A_249 {strides = array<i32>} : memref<704xf32, #tpu.memory_space<vmem>>, vector<16xf32>, vector<16xi1>
      tpu.vector_store %arg10[%swap3A_274], %add3A_231 masked %and3A_249 {strides = array<i32>} : memref<704xf32, #tpu.memory_space<vmem>>, vector<16xf32>, vector<16xi1>
      %all_reduce_population_count3A_276 = tpu.all_reduce %and3A_249 {dim = 0 : i64, kind = #tpu.reduction_kind<sum>} : vector<16xi1> -> vector<16xi32>
      %slice3A_277 = vector.extract_strided_slice %all_reduce_population_count3A_276 {offsets = [0], sizes = [1], strides = [1]} : vector<16xi32> to vector<1xi32>
      %squeeze3A_278 = vector.extract %slice3A_277[0] : i32 from vector<1xi32>
      %add3A_279 = arith.addi %scan3A_216, %squeeze3A_278 : i32
      %jit3A_280 = arith.constant 0.000000e+00 : f32
      %broadcast_in_dim3A_281 = vector.broadcast %jit3A_280 : f32 to vector<16xf32>
      %select_n3A_282 = arith.select %and3A_249, %add3A_231, %broadcast_in_dim3A_281 : vector<16xi1>, vector<16xf32>
      %add3A_283 = arith.addf %scan3A_220, %select_n3A_282 : vector<16xf32>
      %add3A_284 = arith.constant 528 : i32
      %add3A_285 = arith.addi %add3A_284, %scan3A_217 : i32
      %swap3A_286 = arith.index_cast %add3A_285 : i32 to index
      %swap3A_287 = tpu.vector_load %arg10[%swap3A_286] masked %and3A_252 {strides = array<i32>} : memref<704xf32, #tpu.memory_space<vmem>>, vector<16xf32>, vector<16xi1>
      tpu.vector_store %arg10[%swap3A_286], %add3A_231 masked %and3A_252 {strides = array<i32>} : memref<704xf32, #tpu.memory_space<vmem>>, vector<16xf32>, vector<16xi1>
      %all_reduce_population_count3A_288 = tpu.all_reduce %and3A_252 {dim = 0 : i64, kind = #tpu.reduction_kind<sum>} : vector<16xi1> -> vector<16xi32>
      %slice3A_289 = vector.extract_strided_slice %all_reduce_population_count3A_288 {offsets = [0], sizes = [1], strides = [1]} : vector<16xi32> to vector<1xi32>
      %squeeze3A_290 = vector.extract %slice3A_289[0] : i32 from vector<1xi32>
      %add3A_291 = arith.addi %scan3A_217, %squeeze3A_290 : i32
      %jit3A_292 = arith.constant 0.000000e+00 : f32
      %broadcast_in_dim3A_293 = vector.broadcast %jit3A_292 : f32 to vector<16xf32>
      %select_n3A_294 = arith.select %and3A_252, %add3A_231, %broadcast_in_dim3A_293 : vector<16xi1>, vector<16xf32>
      %add3A_295 = arith.addf %scan3A_221, %select_n3A_294 : vector<16xf32>
      scf.yield %add3A_257, %add3A_267, %add3A_279, %add3A_291, %add3A_259, %add3A_271, %add3A_283, %add3A_295 : i32, i32, i32, i32, vector<16xf32>, vector<16xf32>, vector<16xf32>, vector<16xf32>
    }
    %scan3A_73 = arith.constant 8 : i32
    %scan3A_74 = arith.constant 0 : i32
    %scan3A_75 = arith.constant 0 : i32
    %scan3A_76 = arith.constant 16 : i32
    %scan3A_77 = arith.addi %scan3A_75, %scan3A_76 : i32
    %scan3A_78 = arith.constant 1 : i32
    %scan3A_79 = scf.for %scan3A_213 = %scan3A_75 to %scan3A_77 step %scan3A_78 iter_args(%scan3A_214 = %scan3A_74) -> (i32)  : i32 {
      %mul3A_215 = arith.constant 16 : i32
      %mul3A_216 = arith.muli %scan3A_213, %mul3A_215 : i32
      %get3A = arith.index_cast %mul3A_216 : i32 to index
      %get3A_217 = tpu.vector_load %arg9[%get3A] {strides = array<i32>} : memref<256xi32, #tpu.memory_space<vmem>>, vector<16xi32>,
      tpu.vector_store_idx %arg7[%get3A_217], %broadcast_in_dim3A_57 : memref<2048xf32, #tpu.memory_space<vmem>>[vector<16xi32>], vector<16xf32>,
      %scan3A_218 = arith.constant 0 : i32
      scf.yield %scan3A_218 : i32
    }
    %scan3A_80 = arith.constant 16 : i32
    %scan3A_81 = arith.constant 0 : i32
    %scan3A_82 = arith.constant 0 : i32
    %scan3A_83 = arith.constant 0 : i32
    %scan3A_84 = arith.constant 0 : i32
    %scan3A_85 = arith.constant 0 : i32
    %scan3A_86 = arith.constant 64 : i32
    %scan3A_87 = arith.addi %scan3A_85, %scan3A_86 : i32
    %scan3A_88 = arith.constant 1 : i32
    %scan3A_89:8 = scf.for %scan3A_213 = %scan3A_85 to %scan3A_87 step %scan3A_88 iter_args(%scan3A_214 = %scan3A_81, %scan3A_215 = %scan3A_82, %scan3A_216 = %scan3A_83, %scan3A_217 = %scan3A_84, %scan3A_218 = %broadcast_in_dim3A_57, %scan3A_219 = %broadcast_in_dim3A_57, %scan3A_220 = %broadcast_in_dim3A_57, %scan3A_221 = %broadcast_in_dim3A_57) -> (i32, i32, i32, i32, vector<16xf32>, vector<16xf32>, vector<16xf32>, vector<16xf32>)  : i32 {
      %mul3A_222 = arith.constant 2 : i32
      %mul3A_223 = arith.muli %scan3A_213, %mul3A_222 : i32
      %mul3A_224 = arith.constant 16 : i32
      %mul3A_225 = arith.muli %mul3A_223, %mul3A_224 : i32
      %add3A_226 = arith.constant 0 : i32
      %add3A_227 = arith.addi %mul3A_225, %add3A_226 : i32
      %get3A = arith.index_cast %add3A_227 : i32 to index
      %get3A_228 = tpu.vector_load %arg6[%get3A] {strides = array<i32>} : memref<2048xf32, #tpu.memory_space<vmem>>, vector<16xf32>,
      %mul3A_229 = arith.constant 2 : i32
      %mul3A_230 = arith.muli %scan3A_213, %mul3A_229 : i32
      %mul3A_231 = arith.constant 16 : i32
      %mul3A_232 = arith.muli %mul3A_230, %mul3A_231 : i32
      %add3A_233 = arith.constant 0 : i32
      %add3A_234 = arith.addi %mul3A_232, %add3A_233 : i32
      %get3A_235 = arith.index_cast %add3A_234 : i32 to index
      %get3A_236 = tpu.vector_load %arg7[%get3A_235] {strides = array<i32>} : memref<2048xf32, #tpu.memory_space<vmem>>, vector<16xf32>,
      %gt3A_237 = arith.constant 0.000000e+00 : f32
      %gt3A_238 = vector.broadcast %gt3A_237 : f32 to vector<16xf32>
      %gt3A_239 = arith.cmpf ogt, %get3A_236, %gt3A_238 : vector<16xf32>
      %lt3A = arith.constant -0.674499988 : f32
      %lt3A_240 = vector.broadcast %lt3A : f32 to vector<16xf32>
      %lt3A_241 = arith.cmpf olt, %get3A_228, %lt3A_240 : vector<16xf32>
      %lt3A_242 = arith.constant 0.000000e+00 : f32
      %lt3A_243 = vector.broadcast %lt3A_242 : f32 to vector<16xf32>
      %lt3A_244 = arith.cmpf olt, %get3A_228, %lt3A_243 : vector<16xf32>
      %lt3A_245 = arith.constant 0.674499988 : f32
      %lt3A_246 = vector.broadcast %lt3A_245 : f32 to vector<16xf32>
      %lt3A_247 = arith.cmpf olt, %get3A_228, %lt3A_246 : vector<16xf32>
      %and3A = arith.andi %gt3A_239, %lt3A_241 : vector<16xi1>
      %not3A = arith.constant dense<true> : vector<16xi1>
      %not3A_248 = arith.xori %lt3A_241, %not3A : vector<16xi1>
      %and3A_249 = arith.andi %gt3A_239, %not3A_248 : vector<16xi1>
      %and3A_250 = arith.andi %and3A_249, %lt3A_244 : vector<16xi1>
      %not3A_251 = arith.constant dense<true> : vector<16xi1>
      %not3A_252 = arith.xori %lt3A_244, %not3A_251 : vector<16xi1>
      %and3A_253 = arith.andi %gt3A_239, %not3A_252 : vector<16xi1>
      %and3A_254 = arith.andi %and3A_253, %lt3A_247 : vector<16xi1>
      %not3A_255 = arith.constant dense<true> : vector<16xi1>
      %not3A_256 = arith.xori %lt3A_247, %not3A_255 : vector<16xi1>
      %and3A_257 = arith.andi %gt3A_239, %not3A_256 : vector<16xi1>
      %add3A_258 = arith.constant 0 : i32
      %add3A_259 = arith.addi %add3A_258, %scan3A_214 : i32
      %swap3A_260 = arith.index_cast %add3A_259 : i32 to index
      %swap3A_261 = tpu.vector_load %arg8[%swap3A_260] masked %and3A {strides = array<i32>} : memref<8576xf32, #tpu.memory_space<vmem>>, vector<16xf32>, vector<16xi1>
      tpu.vector_store %arg8[%swap3A_260], %get3A_228 masked %and3A {strides = array<i32>} : memref<8576xf32, #tpu.memory_space<vmem>>, vector<16xf32>, vector<16xi1>
      %all_reduce_population_count3A = tpu.all_reduce %and3A {dim = 0 : i64, kind = #tpu.reduction_kind<sum>} : vector<16xi1> -> vector<16xi32>
      %slice3A = vector.extract_strided_slice %all_reduce_population_count3A {offsets = [0], sizes = [1], strides = [1]} : vector<16xi32> to vector<1xi32>
      %squeeze3A = vector.extract %slice3A[0] : i32 from vector<1xi32>
      %add3A_262 = arith.addi %scan3A_214, %squeeze3A : i32
      %jit3A = arith.constant 0.000000e+00 : f32
      %broadcast_in_dim3A_263 = vector.broadcast %jit3A : f32 to vector<16xf32>
      %select_n3A = arith.select %and3A, %get3A_228, %broadcast_in_dim3A_263 : vector<16xi1>, vector<16xf32>
      %add3A_264 = arith.addf %scan3A_218, %select_n3A : vector<16xf32>
      %add3A_265 = arith.constant 2144 : i32
      %add3A_266 = arith.addi %add3A_265, %scan3A_215 : i32
      %swap3A_267 = arith.index_cast %add3A_266 : i32 to index
      %swap3A_268 = tpu.vector_load %arg8[%swap3A_267] masked %and3A_250 {strides = array<i32>} : memref<8576xf32, #tpu.memory_space<vmem>>, vector<16xf32>, vector<16xi1>
      tpu.vector_store %arg8[%swap3A_267], %get3A_228 masked %and3A_250 {strides = array<i32>} : memref<8576xf32, #tpu.memory_space<vmem>>, vector<16xf32>, vector<16xi1>
      %all_reduce_population_count3A_269 = tpu.all_reduce %and3A_250 {dim = 0 : i64, kind = #tpu.reduction_kind<sum>} : vector<16xi1> -> vector<16xi32>
      %slice3A_270 = vector.extract_strided_slice %all_reduce_population_count3A_269 {offsets = [0], sizes = [1], strides = [1]} : vector<16xi32> to vector<1xi32>
      %squeeze3A_271 = vector.extract %slice3A_270[0] : i32 from vector<1xi32>
      %add3A_272 = arith.addi %scan3A_215, %squeeze3A_271 : i32
      %jit3A_273 = arith.constant 0.000000e+00 : f32
      %broadcast_in_dim3A_274 = vector.broadcast %jit3A_273 : f32 to vector<16xf32>
      %select_n3A_275 = arith.select %and3A_250, %get3A_228, %broadcast_in_dim3A_274 : vector<16xi1>, vector<16xf32>
      %add3A_276 = arith.addf %scan3A_219, %select_n3A_275 : vector<16xf32>
      %add3A_277 = arith.constant 4288 : i32
      %add3A_278 = arith.addi %add3A_277, %scan3A_216 : i32
      %swap3A_279 = arith.index_cast %add3A_278 : i32 to index
      %swap3A_280 = tpu.vector_load %arg8[%swap3A_279] masked %and3A_254 {strides = array<i32>} : memref<8576xf32, #tpu.memory_space<vmem>>, vector<16xf32>, vector<16xi1>
      tpu.vector_store %arg8[%swap3A_279], %get3A_228 masked %and3A_254 {strides = array<i32>} : memref<8576xf32, #tpu.memory_space<vmem>>, vector<16xf32>, vector<16xi1>
      %all_reduce_population_count3A_281 = tpu.all_reduce %and3A_254 {dim = 0 : i64, kind = #tpu.reduction_kind<sum>} : vector<16xi1> -> vector<16xi32>
      %slice3A_282 = vector.extract_strided_slice %all_reduce_population_count3A_281 {offsets = [0], sizes = [1], strides = [1]} : vector<16xi32> to vector<1xi32>
      %squeeze3A_283 = vector.extract %slice3A_282[0] : i32 from vector<1xi32>
      %add3A_284 = arith.addi %scan3A_216, %squeeze3A_283 : i32
      %jit3A_285 = arith.constant 0.000000e+00 : f32
      %broadcast_in_dim3A_286 = vector.broadcast %jit3A_285 : f32 to vector<16xf32>
      %select_n3A_287 = arith.select %and3A_254, %get3A_228, %broadcast_in_dim3A_286 : vector<16xi1>, vector<16xf32>
      %add3A_288 = arith.addf %scan3A_220, %select_n3A_287 : vector<16xf32>
      %add3A_289 = arith.constant 6432 : i32
      %add3A_290 = arith.addi %add3A_289, %scan3A_217 : i32
      %swap3A_291 = arith.index_cast %add3A_290 : i32 to index
      %swap3A_292 = tpu.vector_load %arg8[%swap3A_291] masked %and3A_257 {strides = array<i32>} : memref<8576xf32, #tpu.memory_space<vmem>>, vector<16xf32>, vector<16xi1>
      tpu.vector_store %arg8[%swap3A_291], %get3A_228 masked %and3A_257 {strides = array<i32>} : memref<8576xf32, #tpu.memory_space<vmem>>, vector<16xf32>, vector<16xi1>
      %all_reduce_population_count3A_293 = tpu.all_reduce %and3A_257 {dim = 0 : i64, kind = #tpu.reduction_kind<sum>} : vector<16xi1> -> vector<16xi32>
      %slice3A_294 = vector.extract_strided_slice %all_reduce_population_count3A_293 {offsets = [0], sizes = [1], strides = [1]} : vector<16xi32> to vector<1xi32>
      %squeeze3A_295 = vector.extract %slice3A_294[0] : i32 from vector<1xi32>
      %add3A_296 = arith.addi %scan3A_217, %squeeze3A_295 : i32
      %jit3A_297 = arith.constant 0.000000e+00 : f32
      %broadcast_in_dim3A_298 = vector.broadcast %jit3A_297 : f32 to vector<16xf32>
      %select_n3A_299 = arith.select %and3A_257, %get3A_228, %broadcast_in_dim3A_298 : vector<16xi1>, vector<16xf32>
      %add3A_300 = arith.addf %scan3A_221, %select_n3A_299 : vector<16xf32>
      %mul3A_301 = arith.constant 2 : i32
      %mul3A_302 = arith.muli %scan3A_213, %mul3A_301 : i32
      %mul3A_303 = arith.constant 16 : i32
      %mul3A_304 = arith.muli %mul3A_302, %mul3A_303 : i32
      %add3A_305 = arith.constant 16 : i32
      %add3A_306 = arith.addi %mul3A_304, %add3A_305 : i32
      %get3A_307 = arith.index_cast %add3A_306 : i32 to index
      %get3A_308 = tpu.vector_load %arg6[%get3A_307] {strides = array<i32>} : memref<2048xf32, #tpu.memory_space<vmem>>, vector<16xf32>,
      %mul3A_309 = arith.constant 2 : i32
      %mul3A_310 = arith.muli %scan3A_213, %mul3A_309 : i32
      %mul3A_311 = arith.constant 16 : i32
      %mul3A_312 = arith.muli %mul3A_310, %mul3A_311 : i32
      %add3A_313 = arith.constant 16 : i32
      %add3A_314 = arith.addi %mul3A_312, %add3A_313 : i32
      %get3A_315 = arith.index_cast %add3A_314 : i32 to index
      %get3A_316 = tpu.vector_load %arg7[%get3A_315] {strides = array<i32>} : memref<2048xf32, #tpu.memory_space<vmem>>, vector<16xf32>,
      %gt3A_317 = arith.constant 0.000000e+00 : f32
      %gt3A_318 = vector.broadcast %gt3A_317 : f32 to vector<16xf32>
      %gt3A_319 = arith.cmpf ogt, %get3A_316, %gt3A_318 : vector<16xf32>
      %lt3A_320 = arith.constant -0.674499988 : f32
      %lt3A_321 = vector.broadcast %lt3A_320 : f32 to vector<16xf32>
      %lt3A_322 = arith.cmpf olt, %get3A_308, %lt3A_321 : vector<16xf32>
      %lt3A_323 = arith.constant 0.000000e+00 : f32
      %lt3A_324 = vector.broadcast %lt3A_323 : f32 to vector<16xf32>
      %lt3A_325 = arith.cmpf olt, %get3A_308, %lt3A_324 : vector<16xf32>
      %lt3A_326 = arith.constant 0.674499988 : f32
      %lt3A_327 = vector.broadcast %lt3A_326 : f32 to vector<16xf32>
      %lt3A_328 = arith.cmpf olt, %get3A_308, %lt3A_327 : vector<16xf32>
      %and3A_329 = arith.andi %gt3A_319, %lt3A_322 : vector<16xi1>
      %not3A_330 = arith.constant dense<true> : vector<16xi1>
      %not3A_331 = arith.xori %lt3A_322, %not3A_330 : vector<16xi1>
      %and3A_332 = arith.andi %gt3A_319, %not3A_331 : vector<16xi1>
      %and3A_333 = arith.andi %and3A_332, %lt3A_325 : vector<16xi1>
      %not3A_334 = arith.constant dense<true> : vector<16xi1>
      %not3A_335 = arith.xori %lt3A_325, %not3A_334 : vector<16xi1>
      %and3A_336 = arith.andi %gt3A_319, %not3A_335 : vector<16xi1>
      %and3A_337 = arith.andi %and3A_336, %lt3A_328 : vector<16xi1>
      %not3A_338 = arith.constant dense<true> : vector<16xi1>
      %not3A_339 = arith.xori %lt3A_328, %not3A_338 : vector<16xi1>
      %and3A_340 = arith.andi %gt3A_319, %not3A_339 : vector<16xi1>
      %add3A_341 = arith.constant 0 : i32
      %add3A_342 = arith.addi %add3A_341, %add3A_262 : i32
      %swap3A_343 = arith.index_cast %add3A_342 : i32 to index
      %swap3A_344 = tpu.vector_load %arg8[%swap3A_343] masked %and3A_329 {strides = array<i32>} : memref<8576xf32, #tpu.memory_space<vmem>>, vector<16xf32>, vector<16xi1>
      tpu.vector_store %arg8[%swap3A_343], %get3A_308 masked %and3A_329 {strides = array<i32>} : memref<8576xf32, #tpu.memory_space<vmem>>, vector<16xf32>, vector<16xi1>
      %all_reduce_population_count3A_345 = tpu.all_reduce %and3A_329 {dim = 0 : i64, kind = #tpu.reduction_kind<sum>} : vector<16xi1> -> vector<16xi32>
      %slice3A_346 = vector.extract_strided_slice %all_reduce_population_count3A_345 {offsets = [0], sizes = [1], strides = [1]} : vector<16xi32> to vector<1xi32>
      %squeeze3A_347 = vector.extract %slice3A_346[0] : i32 from vector<1xi32>
      %add3A_348 = arith.addi %add3A_262, %squeeze3A_347 : i32
      %jit3A_349 = arith.constant 0.000000e+00 : f32
      %broadcast_in_dim3A_350 = vector.broadcast %jit3A_349 : f32 to vector<16xf32>
      %select_n3A_351 = arith.select %and3A_329, %get3A_308, %broadcast_in_dim3A_350 : vector<16xi1>, vector<16xf32>
      %add3A_352 = arith.addf %add3A_264, %select_n3A_351 : vector<16xf32>
      %add3A_353 = arith.constant 2144 : i32
      %add3A_354 = arith.addi %add3A_353, %add3A_272 : i32
      %swap3A_355 = arith.index_cast %add3A_354 : i32 to index
      %swap3A_356 = tpu.vector_load %arg8[%swap3A_355] masked %and3A_333 {strides = array<i32>} : memref<8576xf32, #tpu.memory_space<vmem>>, vector<16xf32>, vector<16xi1>
      tpu.vector_store %arg8[%swap3A_355], %get3A_308 masked %and3A_333 {strides = array<i32>} : memref<8576xf32, #tpu.memory_space<vmem>>, vector<16xf32>, vector<16xi1>
      %all_reduce_population_count3A_357 = tpu.all_reduce %and3A_333 {dim = 0 : i64, kind = #tpu.reduction_kind<sum>} : vector<16xi1> -> vector<16xi32>
      %slice3A_358 = vector.extract_strided_slice %all_reduce_population_count3A_357 {offsets = [0], sizes = [1], strides = [1]} : vector<16xi32> to vector<1xi32>
      %squeeze3A_359 = vector.extract %slice3A_358[0] : i32 from vector<1xi32>
      %add3A_360 = arith.addi %add3A_272, %squeeze3A_359 : i32
      %jit3A_361 = arith.constant 0.000000e+00 : f32
      %broadcast_in_dim3A_362 = vector.broadcast %jit3A_361 : f32 to vector<16xf32>
      %select_n3A_363 = arith.select %and3A_333, %get3A_308, %broadcast_in_dim3A_362 : vector<16xi1>, vector<16xf32>
      %add3A_364 = arith.addf %add3A_276, %select_n3A_363 : vector<16xf32>
      %add3A_365 = arith.constant 4288 : i32
      %add3A_366 = arith.addi %add3A_365, %add3A_284 : i32
      %swap3A_367 = arith.index_cast %add3A_366 : i32 to index
      %swap3A_368 = tpu.vector_load %arg8[%swap3A_367] masked %and3A_337 {strides = array<i32>} : memref<8576xf32, #tpu.memory_space<vmem>>, vector<16xf32>, vector<16xi1>
      tpu.vector_store %arg8[%swap3A_367], %get3A_308 masked %and3A_337 {strides = array<i32>} : memref<8576xf32, #tpu.memory_space<vmem>>, vector<16xf32>, vector<16xi1>
      %all_reduce_population_count3A_369 = tpu.all_reduce %and3A_337 {dim = 0 : i64, kind = #tpu.reduction_kind<sum>} : vector<16xi1> -> vector<16xi32>
      %slice3A_370 = vector.extract_strided_slice %all_reduce_population_count3A_369 {offsets = [0], sizes = [1], strides = [1]} : vector<16xi32> to vector<1xi32>
      %squeeze3A_371 = vector.extract %slice3A_370[0] : i32 from vector<1xi32>
      %add3A_372 = arith.addi %add3A_284, %squeeze3A_371 : i32
      %jit3A_373 = arith.constant 0.000000e+00 : f32
      %broadcast_in_dim3A_374 = vector.broadcast %jit3A_373 : f32 to vector<16xf32>
      %select_n3A_375 = arith.select %and3A_337, %get3A_308, %broadcast_in_dim3A_374 : vector<16xi1>, vector<16xf32>
      %add3A_376 = arith.addf %add3A_288, %select_n3A_375 : vector<16xf32>
      %add3A_377 = arith.constant 6432 : i32
      %add3A_378 = arith.addi %add3A_377, %add3A_296 : i32
      %swap3A_379 = arith.index_cast %add3A_378 : i32 to index
      %swap3A_380 = tpu.vector_load %arg8[%swap3A_379] masked %and3A_340 {strides = array<i32>} : memref<8576xf32, #tpu.memory_space<vmem>>, vector<16xf32>, vector<16xi1>
      tpu.vector_store %arg8[%swap3A_379], %get3A_308 masked %and3A_340 {strides = array<i32>} : memref<8576xf32, #tpu.memory_space<vmem>>, vector<16xf32>, vector<16xi1>
      %all_reduce_population_count3A_381 = tpu.all_reduce %and3A_340 {dim = 0 : i64, kind = #tpu.reduction_kind<sum>} : vector<16xi1> -> vector<16xi32>
      %slice3A_382 = vector.extract_strided_slice %all_reduce_population_count3A_381 {offsets = [0], sizes = [1], strides = [1]} : vector<16xi32> to vector<1xi32>
      %squeeze3A_383 = vector.extract %slice3A_382[0] : i32 from vector<1xi32>
      %add3A_384 = arith.addi %add3A_296, %squeeze3A_383 : i32
      %jit3A_385 = arith.constant 0.000000e+00 : f32
      %broadcast_in_dim3A_386 = vector.broadcast %jit3A_385 : f32 to vector<16xf32>
      %select_n3A_387 = arith.select %and3A_340, %get3A_308, %broadcast_in_dim3A_386 : vector<16xi1>, vector<16xf32>
      %add3A_388 = arith.addf %add3A_300, %select_n3A_387 : vector<16xf32>
      scf.yield %add3A_348, %add3A_360, %add3A_372, %add3A_384, %add3A_352, %add3A_364, %add3A_376, %add3A_388 : i32, i32, i32, i32, vector<16xf32>, vector<16xf32>, vector<16xf32>, vector<16xf32>
    }
    %scan3A_90 = arith.constant 64 : i32
    %swap3A = arith.constant 0 : i32
    %swap3A_91 = arith.index_cast %swap3A : i32 to index
    %swap3A_92 = memref.load %arg13[%swap3A_91] : memref<8xi32, #tpu.memory_space<smem>>
    memref.store %scan3A_72#0, %arg13[%swap3A_91] : memref<8xi32, #tpu.memory_space<smem>>
    %swap3A_93 = arith.constant 4 : i32
    %swap3A_94 = arith.index_cast %swap3A_93 : i32 to index
    %swap3A_95 = memref.load %arg13[%swap3A_94] : memref<8xi32, #tpu.memory_space<smem>>
    memref.store %scan3A_89#0, %arg13[%swap3A_94] : memref<8xi32, #tpu.memory_space<smem>>
    %reduce_sum3A = arith.constant true
    %reduce_sum3A_96 = vector.broadcast %reduce_sum3A : i1 to vector<16xi1>
    %reduce_sum3A_97 = tpu.scan <sum>, %scan3A_72#4 masked %reduce_sum3A_96 : vector<16xf32>, vector<16xi1> -> vector<16xf32>
    %reduce_sum3A_98 = vector.extract %reduce_sum3A_97[15] : f32 from vector<16xf32>
    %swap3A_99 = arith.constant 0 : i32
    %swap3A_100 = arith.index_cast %swap3A_99 : i32 to index
    %swap3A_101 = memref.load %arg14[%swap3A_100] : memref<8xf32, #tpu.memory_space<smem>>
    memref.store %reduce_sum3A_98, %arg14[%swap3A_100] : memref<8xf32, #tpu.memory_space<smem>>
    %reduce_sum3A_102 = arith.constant true
    %reduce_sum3A_103 = vector.broadcast %reduce_sum3A_102 : i1 to vector<16xi1>
    %reduce_sum3A_104 = tpu.scan <sum>, %scan3A_89#4 masked %reduce_sum3A_103 : vector<16xf32>, vector<16xi1> -> vector<16xf32>
    %reduce_sum3A_105 = vector.extract %reduce_sum3A_104[15] : f32 from vector<16xf32>
    %swap3A_106 = arith.constant 4 : i32
    %swap3A_107 = arith.index_cast %swap3A_106 : i32 to index
    %swap3A_108 = memref.load %arg14[%swap3A_107] : memref<8xf32, #tpu.memory_space<smem>>
    memref.store %reduce_sum3A_105, %arg14[%swap3A_107] : memref<8xf32, #tpu.memory_space<smem>>
    %swap3A_109 = arith.constant 1 : i32
    %swap3A_110 = arith.index_cast %swap3A_109 : i32 to index
    %swap3A_111 = memref.load %arg13[%swap3A_110] : memref<8xi32, #tpu.memory_space<smem>>
    memref.store %scan3A_72#1, %arg13[%swap3A_110] : memref<8xi32, #tpu.memory_space<smem>>
    %swap3A_112 = arith.constant 5 : i32
    %swap3A_113 = arith.index_cast %swap3A_112 : i32 to index
    %swap3A_114 = memref.load %arg13[%swap3A_113] : memref<8xi32, #tpu.memory_space<smem>>
    memref.store %scan3A_89#1, %arg13[%swap3A_113] : memref<8xi32, #tpu.memory_space<smem>>
    %reduce_sum3A_115 = arith.constant true
    %reduce_sum3A_116 = vector.broadcast %reduce_sum3A_115 : i1 to vector<16xi1>
    %reduce_sum3A_117 = tpu.scan <sum>, %scan3A_72#5 masked %reduce_sum3A_116 : vector<16xf32>, vector<16xi1> -> vector<16xf32>
    %reduce_sum3A_118 = vector.extract %reduce_sum3A_117[15] : f32 from vector<16xf32>
    %swap3A_119 = arith.constant 1 : i32
    %swap3A_120 = arith.index_cast %swap3A_119 : i32 to index
    %swap3A_121 = memref.load %arg14[%swap3A_120] : memref<8xf32, #tpu.memory_space<smem>>
    memref.store %reduce_sum3A_118, %arg14[%swap3A_120] : memref<8xf32, #tpu.memory_space<smem>>
    %reduce_sum3A_122 = arith.constant true
    %reduce_sum3A_123 = vector.broadcast %reduce_sum3A_122 : i1 to vector<16xi1>
    %reduce_sum3A_124 = tpu.scan <sum>, %scan3A_89#5 masked %reduce_sum3A_123 : vector<16xf32>, vector<16xi1> -> vector<16xf32>
    %reduce_sum3A_125 = vector.extract %reduce_sum3A_124[15] : f32 from vector<16xf32>
    %swap3A_126 = arith.constant 5 : i32
    %swap3A_127 = arith.index_cast %swap3A_126 : i32 to index
    %swap3A_128 = memref.load %arg14[%swap3A_127] : memref<8xf32, #tpu.memory_space<smem>>
    memref.store %reduce_sum3A_125, %arg14[%swap3A_127] : memref<8xf32, #tpu.memory_space<smem>>
    %swap3A_129 = arith.constant 2 : i32
    %swap3A_130 = arith.index_cast %swap3A_129 : i32 to index
    %swap3A_131 = memref.load %arg13[%swap3A_130] : memref<8xi32, #tpu.memory_space<smem>>
    memref.store %scan3A_72#2, %arg13[%swap3A_130] : memref<8xi32, #tpu.memory_space<smem>>
    %swap3A_132 = arith.constant 6 : i32
    %swap3A_133 = arith.index_cast %swap3A_132 : i32 to index
    %swap3A_134 = memref.load %arg13[%swap3A_133] : memref<8xi32, #tpu.memory_space<smem>>
    memref.store %scan3A_89#2, %arg13[%swap3A_133] : memref<8xi32, #tpu.memory_space<smem>>
    %reduce_sum3A_135 = arith.constant true
    %reduce_sum3A_136 = vector.broadcast %reduce_sum3A_135 : i1 to vector<16xi1>
    %reduce_sum3A_137 = tpu.scan <sum>, %scan3A_72#6 masked %reduce_sum3A_136 : vector<16xf32>, vector<16xi1> -> vector<16xf32>
    %reduce_sum3A_138 = vector.extract %reduce_sum3A_137[15] : f32 from vector<16xf32>
    %swap3A_139 = arith.constant 2 : i32
    %swap3A_140 = arith.index_cast %swap3A_139 : i32 to index
    %swap3A_141 = memref.load %arg14[%swap3A_140] : memref<8xf32, #tpu.memory_space<smem>>
    memref.store %reduce_sum3A_138, %arg14[%swap3A_140] : memref<8xf32, #tpu.memory_space<smem>>
    %reduce_sum3A_142 = arith.constant true
    %reduce_sum3A_143 = vector.broadcast %reduce_sum3A_142 : i1 to vector<16xi1>
    %reduce_sum3A_144 = tpu.scan <sum>, %scan3A_89#6 masked %reduce_sum3A_143 : vector<16xf32>, vector<16xi1> -> vector<16xf32>
    %reduce_sum3A_145 = vector.extract %reduce_sum3A_144[15] : f32 from vector<16xf32>
    %swap3A_146 = arith.constant 6 : i32
    %swap3A_147 = arith.index_cast %swap3A_146 : i32 to index
    %swap3A_148 = memref.load %arg14[%swap3A_147] : memref<8xf32, #tpu.memory_space<smem>>
    memref.store %reduce_sum3A_145, %arg14[%swap3A_147] : memref<8xf32, #tpu.memory_space<smem>>
    %swap3A_149 = arith.constant 3 : i32
    %swap3A_150 = arith.index_cast %swap3A_149 : i32 to index
    %swap3A_151 = memref.load %arg13[%swap3A_150] : memref<8xi32, #tpu.memory_space<smem>>
    memref.store %scan3A_72#3, %arg13[%swap3A_150] : memref<8xi32, #tpu.memory_space<smem>>
    %swap3A_152 = arith.constant 7 : i32
    %swap3A_153 = arith.index_cast %swap3A_152 : i32 to index
    %swap3A_154 = memref.load %arg13[%swap3A_153] : memref<8xi32, #tpu.memory_space<smem>>
    memref.store %scan3A_89#3, %arg13[%swap3A_153] : memref<8xi32, #tpu.memory_space<smem>>
    %reduce_sum3A_155 = arith.constant true
    %reduce_sum3A_156 = vector.broadcast %reduce_sum3A_155 : i1 to vector<16xi1>
    %reduce_sum3A_157 = tpu.scan <sum>, %scan3A_72#7 masked %reduce_sum3A_156 : vector<16xf32>, vector<16xi1> -> vector<16xf32>
    %reduce_sum3A_158 = vector.extract %reduce_sum3A_157[15] : f32 from vector<16xf32>
    %swap3A_159 = arith.constant 3 : i32
    %swap3A_160 = arith.index_cast %swap3A_159 : i32 to index
    %swap3A_161 = memref.load %arg14[%swap3A_160] : memref<8xf32, #tpu.memory_space<smem>>
    memref.store %reduce_sum3A_158, %arg14[%swap3A_160] : memref<8xf32, #tpu.memory_space<smem>>
    %reduce_sum3A_162 = arith.constant true
    %reduce_sum3A_163 = vector.broadcast %reduce_sum3A_162 : i1 to vector<16xi1>
    %reduce_sum3A_164 = tpu.scan <sum>, %scan3A_89#7 masked %reduce_sum3A_163 : vector<16xf32>, vector<16xi1> -> vector<16xf32>
    %reduce_sum3A_165 = vector.extract %reduce_sum3A_164[15] : f32 from vector<16xf32>
    %swap3A_166 = arith.constant 7 : i32
    %swap3A_167 = arith.index_cast %swap3A_166 : i32 to index
    %swap3A_168 = memref.load %arg14[%swap3A_167] : memref<8xf32, #tpu.memory_space<smem>>
    memref.store %reduce_sum3A_165, %arg14[%swap3A_167] : memref<8xf32, #tpu.memory_space<smem>>
    %scan3A_169 = arith.constant 0 : i32
    %scan3A_170 = arith.constant 0 : i32
    %scan3A_171 = arith.constant 4 : i32
    %scan3A_172 = arith.addi %scan3A_170, %scan3A_171 : i32
    %scan3A_173 = arith.constant 1 : i32
    %scan3A_174 = scf.for %scan3A_213 = %scan3A_170 to %scan3A_172 step %scan3A_173 iter_args(%scan3A_214 = %scan3A_169) -> (i32)  : i32 {
      %get3A = arith.index_cast %scan3A_213 : i32 to index
      %get3A_215 = memref.load %arg13[%get3A] : memref<8xi32, #tpu.memory_space<smem>>
      %mul3A_216 = arith.constant 176 : i32
      %mul3A_217 = arith.muli %scan3A_213, %mul3A_216 : i32
      %add3A_218 = arith.addi %mul3A_217, %get3A_215 : i32
      %add3A_219 = arith.constant 0 : i32
      %add3A_220 = arith.addi %add3A_218, %add3A_219 : i32
      %swap3A_221 = arith.index_cast %add3A_220 : i32 to index
      %swap3A_222 = tpu.vector_load %arg10[%swap3A_221] masked %gt3A_63 {strides = array<i32>} : memref<704xf32, #tpu.memory_space<vmem>>, vector<16xf32>, vector<16xi1>
      tpu.vector_store %arg10[%swap3A_221], %broadcast_in_dim3A_61 masked %gt3A_63 {strides = array<i32>} : memref<704xf32, #tpu.memory_space<vmem>>, vector<16xf32>, vector<16xi1>
      %mul3A_223 = arith.constant 176 : i32
      %mul3A_224 = arith.muli %scan3A_213, %mul3A_223 : i32
      %add3A_225 = arith.addi %mul3A_224, %get3A_215 : i32
      %add3A_226 = arith.constant 16 : i32
      %add3A_227 = arith.addi %add3A_225, %add3A_226 : i32
      %swap3A_228 = arith.index_cast %add3A_227 : i32 to index
      %swap3A_229 = tpu.vector_load %arg10[%swap3A_228] masked %gt3A_63 {strides = array<i32>} : memref<704xf32, #tpu.memory_space<vmem>>, vector<16xf32>, vector<16xi1>
      tpu.vector_store %arg10[%swap3A_228], %broadcast_in_dim3A_61 masked %gt3A_63 {strides = array<i32>} : memref<704xf32, #tpu.memory_space<vmem>>, vector<16xf32>, vector<16xi1>
      %add3A_230 = arith.constant 4 : i32
      %add3A_231 = arith.addi %add3A_230, %scan3A_213 : i32
      %get3A_232 = arith.index_cast %add3A_231 : i32 to index
      %get3A_233 = memref.load %arg13[%get3A_232] : memref<8xi32, #tpu.memory_space<smem>>
      %mul3A_234 = arith.constant 2144 : i32
      %mul3A_235 = arith.muli %scan3A_213, %mul3A_234 : i32
      %add3A_236 = arith.addi %mul3A_235, %get3A_233 : i32
      %add3A_237 = arith.constant 0 : i32
      %add3A_238 = arith.addi %add3A_236, %add3A_237 : i32
      %swap3A_239 = arith.index_cast %add3A_238 : i32 to index
      %swap3A_240 = tpu.vector_load %arg8[%swap3A_239] masked %gt3A_63 {strides = array<i32>} : memref<8576xf32, #tpu.memory_space<vmem>>, vector<16xf32>, vector<16xi1>
      tpu.vector_store %arg8[%swap3A_239], %broadcast_in_dim3A_59 masked %gt3A_63 {strides = array<i32>} : memref<8576xf32, #tpu.memory_space<vmem>>, vector<16xf32>, vector<16xi1>
      %mul3A_241 = arith.constant 2144 : i32
      %mul3A_242 = arith.muli %scan3A_213, %mul3A_241 : i32
      %add3A_243 = arith.addi %mul3A_242, %get3A_233 : i32
      %add3A_244 = arith.constant 16 : i32
      %add3A_245 = arith.addi %add3A_243, %add3A_244 : i32
      %swap3A_246 = arith.index_cast %add3A_245 : i32 to index
      %swap3A_247 = tpu.vector_load %arg8[%swap3A_246] masked %gt3A_63 {strides = array<i32>} : memref<8576xf32, #tpu.memory_space<vmem>>, vector<16xf32>, vector<16xi1>
      tpu.vector_store %arg8[%swap3A_246], %broadcast_in_dim3A_59 masked %gt3A_63 {strides = array<i32>} : memref<8576xf32, #tpu.memory_space<vmem>>, vector<16xf32>, vector<16xi1>
      %mul3A_248 = arith.constant 2144 : i32
      %mul3A_249 = arith.muli %scan3A_213, %mul3A_248 : i32
      %add3A_250 = arith.addi %mul3A_249, %get3A_233 : i32
      %add3A_251 = arith.constant 32 : i32
      %add3A_252 = arith.addi %add3A_250, %add3A_251 : i32
      %swap3A_253 = arith.index_cast %add3A_252 : i32 to index
      %swap3A_254 = tpu.vector_load %arg8[%swap3A_253] masked %gt3A_63 {strides = array<i32>} : memref<8576xf32, #tpu.memory_space<vmem>>, vector<16xf32>, vector<16xi1>
      tpu.vector_store %arg8[%swap3A_253], %broadcast_in_dim3A_59 masked %gt3A_63 {strides = array<i32>} : memref<8576xf32, #tpu.memory_space<vmem>>, vector<16xf32>, vector<16xi1>
      %scan3A_255 = arith.constant 0 : i32
      scf.yield %scan3A_255 : i32
    }
    %scan3A_175 = arith.constant 4 : i32
    %scan3A_176 = arith.constant 0.000000e+00 : f32
    %scan3A_177 = arith.constant 0.000000e+00 : f32
    %scan3A_178 = arith.constant 0.000000e+00 : f32
    %scan3A_179 = arith.constant 0 : i32
    %scan3A_180 = arith.constant 4 : i32
    %scan3A_181 = arith.addi %scan3A_179, %scan3A_180 : i32
    %scan3A_182 = arith.constant 1 : i32
    %scan3A_183:5 = scf.for %scan3A_213 = %scan3A_179 to %scan3A_181 step %scan3A_182 iter_args(%scan3A_214 = %broadcast_in_dim3A_57, %scan3A_215 = %broadcast_in_dim3A_57, %scan3A_216 = %scan3A_176, %scan3A_217 = %scan3A_177, %scan3A_218 = %scan3A_178) -> (vector<16xf32>, vector<16xf32>, f32, f32, f32)  : i32 {
      %get3A = arith.index_cast %scan3A_213 : i32 to index
      %get3A_219 = memref.load %arg13[%get3A] : memref<8xi32, #tpu.memory_space<smem>>
      %add3A_220 = arith.constant 4 : i32
      %add3A_221 = arith.addi %add3A_220, %scan3A_213 : i32
      %get3A_222 = arith.index_cast %add3A_221 : i32 to index
      %get3A_223 = memref.load %arg13[%get3A_222] : memref<8xi32, #tpu.memory_space<smem>>
      %get3A_224 = arith.index_cast %scan3A_213 : i32 to index
      %get3A_225 = memref.load %arg14[%get3A_224] : memref<8xf32, #tpu.memory_space<smem>>
      %add3A_226 = arith.constant 4 : i32
      %add3A_227 = arith.addi %add3A_226, %scan3A_213 : i32
      %get3A_228 = arith.index_cast %add3A_227 : i32 to index
      %get3A_229 = memref.load %arg14[%get3A_228] : memref<8xf32, #tpu.memory_space<smem>>
      %mul3A_230 = arith.mulf %scan3A_217, %get3A_225 : f32
      %add3A_231 = arith.addf %scan3A_216, %mul3A_230 : f32
      %convert_element_type3A_232 = arith.sitofp %get3A_219 : i32 to f32
      %mul3A_233 = arith.mulf %convert_element_type3A_232, %scan3A_218 : f32
      %sub3A = arith.subf %add3A_231, %mul3A_233 : f32
      %convert_element_type3A_234 = arith.sitofp %get3A_223 : i32 to f32
      %add3A_235 = arith.addf %scan3A_217, %convert_element_type3A_234 : f32
      %add3A_236 = arith.addf %scan3A_218, %get3A_229 : f32
      %add3A_237 = arith.constant 16 : i32
      %add3A_238 = arith.addi %get3A_219, %add3A_237 : i32
      %sub3A_239 = arith.constant 1 : i32
      %sub3A_240 = arith.subi %add3A_238, %sub3A_239 : i32
      %jit3A = arith.constant 16 : i32
      %div3A = arith.divsi %sub3A_240, %jit3A : i32
      %sign3A = arith.constant 0 : i32
      %sign3A_241 = arith.cmpi sgt, %sub3A_240, %sign3A : i32
      %sign3A_242 = arith.extui %sign3A_241 : i1 to i32
      %sign3A_243 = arith.constant 0 : i32
      %sign3A_244 = arith.cmpi slt, %sub3A_240, %sign3A_243 : i32
      %sign3A_245 = arith.extui %sign3A_244 : i1 to i32
      %sign3A_246 = arith.subi %sign3A_242, %sign3A_245 : i32
      %sign3A_247 = arith.constant 0 : i32
      %sign3A_248 = arith.cmpi sgt, %jit3A, %sign3A_247 : i32
      %sign3A_249 = arith.extui %sign3A_248 : i1 to i32
      %sign3A_250 = arith.constant 0 : i32
      %sign3A_251 = arith.cmpi slt, %jit3A, %sign3A_250 : i32
      %sign3A_252 = arith.extui %sign3A_251 : i1 to i32
      %sign3A_253 = arith.subi %sign3A_249, %sign3A_252 : i32
      %ne3A = arith.cmpi ne, %sign3A_246, %sign3A_253 : i32
      %rem3A = arith.remsi %sub3A_240, %jit3A : i32
      %ne3A_254 = arith.constant 0 : i32
      %ne3A_255 = arith.cmpi ne, %rem3A, %ne3A_254 : i32
      %and3A = arith.andi %ne3A, %ne3A_255 : i1
      %sub3A_256 = arith.constant 1 : i32
      %sub3A_257 = arith.subi %div3A, %sub3A_256 : i32
      %select_n3A = arith.select %and3A, %sub3A_257, %div3A : i32
      %add3A_258 = arith.constant 32 : i32
      %add3A_259 = arith.addi %get3A_223, %add3A_258 : i32
      %sub3A_260 = arith.constant 1 : i32
      %sub3A_261 = arith.subi %add3A_259, %sub3A_260 : i32
      %jit3A_262 = arith.constant 32 : i32
      %div3A_263 = arith.divsi %sub3A_261, %jit3A_262 : i32
      %sign3A_264 = arith.constant 0 : i32
      %sign3A_265 = arith.cmpi sgt, %sub3A_261, %sign3A_264 : i32
      %sign3A_266 = arith.extui %sign3A_265 : i1 to i32
      %sign3A_267 = arith.constant 0 : i32
      %sign3A_268 = arith.cmpi slt, %sub3A_261, %sign3A_267 : i32
      %sign3A_269 = arith.extui %sign3A_268 : i1 to i32
      %sign3A_270 = arith.subi %sign3A_266, %sign3A_269 : i32
      %sign3A_271 = arith.constant 0 : i32
      %sign3A_272 = arith.cmpi sgt, %jit3A_262, %sign3A_271 : i32
      %sign3A_273 = arith.extui %sign3A_272 : i1 to i32
      %sign3A_274 = arith.constant 0 : i32
      %sign3A_275 = arith.cmpi slt, %jit3A_262, %sign3A_274 : i32
      %sign3A_276 = arith.extui %sign3A_275 : i1 to i32
      %sign3A_277 = arith.subi %sign3A_273, %sign3A_276 : i32
      %ne3A_278 = arith.cmpi ne, %sign3A_270, %sign3A_277 : i32
      %rem3A_279 = arith.remsi %sub3A_261, %jit3A_262 : i32
      %ne3A_280 = arith.constant 0 : i32
      %ne3A_281 = arith.cmpi ne, %rem3A_279, %ne3A_280 : i32
      %and3A_282 = arith.andi %ne3A_278, %ne3A_281 : i1
      %sub3A_283 = arith.constant 1 : i32
      %sub3A_284 = arith.subi %div3A_263, %sub3A_283 : i32
      %select_n3A_285 = arith.select %and3A_282, %sub3A_284, %div3A_263 : i32
      %mul3A_286 = arith.constant 176 : i32
      %mul3A_287 = arith.muli %scan3A_213, %mul3A_286 : i32
      %mul3A_288 = arith.constant 2144 : i32
      %mul3A_289 = arith.muli %scan3A_213, %mul3A_288 : i32
      %while3A = arith.constant 0 : i32
      %while3A_290 = arith.subi %select_n3A, %while3A : i32
      %while3A_291 = arith.addi %while3A, %while3A_290 : i32
      %while3A_292 = arith.constant 1 : i32
      %while3A_293 = arith.divsi %while3A_290, %while3A_292 : i32
      %while3A_294 = arith.muli %while3A_293, %while3A_292 : i32
      %while3A_295 = arith.addi %while3A, %while3A_294 : i32
      %while3A_296 = arith.constant 1 : i32
      %while3A_297:2 = scf.for %while3A_300 = %while3A to %while3A_295 step %while3A_296 iter_args(%while3A_301 = %scan3A_214, %while3A_302 = %scan3A_215) -> (vector<16xf32>, vector<16xf32>)  : i32 {
        %mul3A_303 = arith.constant 16 : i32
        %mul3A_304 = arith.muli %while3A_300, %mul3A_303 : i32
        %add3A_305 = arith.addi %mul3A_287, %mul3A_304 : i32
        %get3A_306 = arith.index_cast %add3A_305 : i32 to index
        %get3A_307 = tpu.vector_load %arg10[%get3A_306] {strides = array<i32>} : memref<704xf32, #tpu.memory_space<vmem>>, vector<16xf32>,
        %slice3A = vector.extract_strided_slice %get3A_307 {offsets = [0], sizes = [1], strides = [1]} : vector<16xf32> to vector<1xf32>
        %squeeze3A = vector.extract %slice3A[0] : f32 from vector<1xf32>
        %slice3A_308 = vector.extract_strided_slice %get3A_307 {offsets = [1], sizes = [1], strides = [1]} : vector<16xf32> to vector<1xf32>
        %squeeze3A_309 = vector.extract %slice3A_308[0] : f32 from vector<1xf32>
        %slice3A_310 = vector.extract_strided_slice %get3A_307 {offsets = [2], sizes = [1], strides = [1]} : vector<16xf32> to vector<1xf32>
        %squeeze3A_311 = vector.extract %slice3A_310[0] : f32 from vector<1xf32>
        %slice3A_312 = vector.extract_strided_slice %get3A_307 {offsets = [3], sizes = [1], strides = [1]} : vector<16xf32> to vector<1xf32>
        %squeeze3A_313 = vector.extract %slice3A_312[0] : f32 from vector<1xf32>
        %slice3A_314 = vector.extract_strided_slice %get3A_307 {offsets = [4], sizes = [1], strides = [1]} : vector<16xf32> to vector<1xf32>
        %squeeze3A_315 = vector.extract %slice3A_314[0] : f32 from vector<1xf32>
        %slice3A_316 = vector.extract_strided_slice %get3A_307 {offsets = [5], sizes = [1], strides = [1]} : vector<16xf32> to vector<1xf32>
        %squeeze3A_317 = vector.extract %slice3A_316[0] : f32 from vector<1xf32>
        %slice3A_318 = vector.extract_strided_slice %get3A_307 {offsets = [6], sizes = [1], strides = [1]} : vector<16xf32> to vector<1xf32>
        %squeeze3A_319 = vector.extract %slice3A_318[0] : f32 from vector<1xf32>
        %slice3A_320 = vector.extract_strided_slice %get3A_307 {offsets = [7], sizes = [1], strides = [1]} : vector<16xf32> to vector<1xf32>
        %squeeze3A_321 = vector.extract %slice3A_320[0] : f32 from vector<1xf32>
        %slice3A_322 = vector.extract_strided_slice %get3A_307 {offsets = [8], sizes = [1], strides = [1]} : vector<16xf32> to vector<1xf32>
        %squeeze3A_323 = vector.extract %slice3A_322[0] : f32 from vector<1xf32>
        %slice3A_324 = vector.extract_strided_slice %get3A_307 {offsets = [9], sizes = [1], strides = [1]} : vector<16xf32> to vector<1xf32>
        %squeeze3A_325 = vector.extract %slice3A_324[0] : f32 from vector<1xf32>
        %slice3A_326 = vector.extract_strided_slice %get3A_307 {offsets = [10], sizes = [1], strides = [1]} : vector<16xf32> to vector<1xf32>
        %squeeze3A_327 = vector.extract %slice3A_326[0] : f32 from vector<1xf32>
        %slice3A_328 = vector.extract_strided_slice %get3A_307 {offsets = [11], sizes = [1], strides = [1]} : vector<16xf32> to vector<1xf32>
        %squeeze3A_329 = vector.extract %slice3A_328[0] : f32 from vector<1xf32>
        %slice3A_330 = vector.extract_strided_slice %get3A_307 {offsets = [12], sizes = [1], strides = [1]} : vector<16xf32> to vector<1xf32>
        %squeeze3A_331 = vector.extract %slice3A_330[0] : f32 from vector<1xf32>
        %slice3A_332 = vector.extract_strided_slice %get3A_307 {offsets = [13], sizes = [1], strides = [1]} : vector<16xf32> to vector<1xf32>
        %squeeze3A_333 = vector.extract %slice3A_332[0] : f32 from vector<1xf32>
        %slice3A_334 = vector.extract_strided_slice %get3A_307 {offsets = [14], sizes = [1], strides = [1]} : vector<16xf32> to vector<1xf32>
        %squeeze3A_335 = vector.extract %slice3A_334[0] : f32 from vector<1xf32>
        %slice3A_336 = vector.extract_strided_slice %get3A_307 {offsets = [15], sizes = [1], strides = [1]} : vector<16xf32> to vector<1xf32>
        %squeeze3A_337 = vector.extract %slice3A_336[0] : f32 from vector<1xf32>
        %while3A_338 = arith.constant 0 : i32
        %while3A_339 = arith.subi %select_n3A_285, %while3A_338 : i32
        %while3A_340 = arith.addi %while3A_338, %while3A_339 : i32
        %while3A_341 = arith.constant 1 : i32
        %while3A_342 = arith.divsi %while3A_339, %while3A_341 : i32
        %while3A_343 = arith.muli %while3A_342, %while3A_341 : i32
        %while3A_344 = arith.addi %while3A_338, %while3A_343 : i32
        %while3A_345 = arith.constant 1 : i32
        %while3A_346:2 = scf.for %while3A_349 = %while3A_338 to %while3A_344 step %while3A_345 iter_args(%while3A_350 = %while3A_301, %while3A_351 = %while3A_302) -> (vector<16xf32>, vector<16xf32>)  : i32 {
          %mul3A_352 = arith.constant 32 : i32
          %mul3A_353 = arith.muli %while3A_349, %mul3A_352 : i32
          %add3A_354 = arith.addi %mul3A_289, %mul3A_353 : i32
          %add3A_355 = arith.constant 0 : i32
          %add3A_356 = arith.addi %add3A_354, %add3A_355 : i32
          %get3A_357 = arith.index_cast %add3A_356 : i32 to index
          %get3A_358 = tpu.vector_load %arg8[%get3A_357] {strides = array<i32>} : memref<8576xf32, #tpu.memory_space<vmem>>, vector<16xf32>,
          %sub3A_359 = vector.broadcast %squeeze3A : f32 to vector<16xf32>
          %sub3A_360 = arith.subf %sub3A_359, %get3A_358 : vector<16xf32>
          %max3A = arith.constant 0.000000e+00 : f32
          %max3A_361 = vector.broadcast %max3A : f32 to vector<16xf32>
          %max3A_362 = arith.maximumf %sub3A_360, %max3A_361 : vector<16xf32>
          %add3A_363 = arith.addf %while3A_350, %max3A_362 : vector<16xf32>
          %sub3A_364 = vector.broadcast %squeeze3A_309 : f32 to vector<16xf32>
          %sub3A_365 = arith.subf %sub3A_364, %get3A_358 : vector<16xf32>
          %max3A_366 = arith.constant 0.000000e+00 : f32
          %max3A_367 = vector.broadcast %max3A_366 : f32 to vector<16xf32>
          %max3A_368 = arith.maximumf %sub3A_365, %max3A_367 : vector<16xf32>
          %add3A_369 = arith.addf %while3A_351, %max3A_368 : vector<16xf32>
          %sub3A_370 = vector.broadcast %squeeze3A_311 : f32 to vector<16xf32>
          %sub3A_371 = arith.subf %sub3A_370, %get3A_358 : vector<16xf32>
          %max3A_372 = arith.constant 0.000000e+00 : f32
          %max3A_373 = vector.broadcast %max3A_372 : f32 to vector<16xf32>
          %max3A_374 = arith.maximumf %sub3A_371, %max3A_373 : vector<16xf32>
          %add3A_375 = arith.addf %add3A_363, %max3A_374 : vector<16xf32>
          %sub3A_376 = vector.broadcast %squeeze3A_313 : f32 to vector<16xf32>
          %sub3A_377 = arith.subf %sub3A_376, %get3A_358 : vector<16xf32>
          %max3A_378 = arith.constant 0.000000e+00 : f32
          %max3A_379 = vector.broadcast %max3A_378 : f32 to vector<16xf32>
          %max3A_380 = arith.maximumf %sub3A_377, %max3A_379 : vector<16xf32>
          %add3A_381 = arith.addf %add3A_369, %max3A_380 : vector<16xf32>
          %sub3A_382 = vector.broadcast %squeeze3A_315 : f32 to vector<16xf32>
          %sub3A_383 = arith.subf %sub3A_382, %get3A_358 : vector<16xf32>
          %max3A_384 = arith.constant 0.000000e+00 : f32
          %max3A_385 = vector.broadcast %max3A_384 : f32 to vector<16xf32>
          %max3A_386 = arith.maximumf %sub3A_383, %max3A_385 : vector<16xf32>
          %add3A_387 = arith.addf %add3A_375, %max3A_386 : vector<16xf32>
          %sub3A_388 = vector.broadcast %squeeze3A_317 : f32 to vector<16xf32>
          %sub3A_389 = arith.subf %sub3A_388, %get3A_358 : vector<16xf32>
          %max3A_390 = arith.constant 0.000000e+00 : f32
          %max3A_391 = vector.broadcast %max3A_390 : f32 to vector<16xf32>
          %max3A_392 = arith.maximumf %sub3A_389, %max3A_391 : vector<16xf32>
          %add3A_393 = arith.addf %add3A_381, %max3A_392 : vector<16xf32>
          %sub3A_394 = vector.broadcast %squeeze3A_319 : f32 to vector<16xf32>
          %sub3A_395 = arith.subf %sub3A_394, %get3A_358 : vector<16xf32>
          %max3A_396 = arith.constant 0.000000e+00 : f32
          %max3A_397 = vector.broadcast %max3A_396 : f32 to vector<16xf32>
          %max3A_398 = arith.maximumf %sub3A_395, %max3A_397 : vector<16xf32>
          %add3A_399 = arith.addf %add3A_387, %max3A_398 : vector<16xf32>
          %sub3A_400 = vector.broadcast %squeeze3A_321 : f32 to vector<16xf32>
          %sub3A_401 = arith.subf %sub3A_400, %get3A_358 : vector<16xf32>
          %max3A_402 = arith.constant 0.000000e+00 : f32
          %max3A_403 = vector.broadcast %max3A_402 : f32 to vector<16xf32>
          %max3A_404 = arith.maximumf %sub3A_401, %max3A_403 : vector<16xf32>
          %add3A_405 = arith.addf %add3A_393, %max3A_404 : vector<16xf32>
          %sub3A_406 = vector.broadcast %squeeze3A_323 : f32 to vector<16xf32>
          %sub3A_407 = arith.subf %sub3A_406, %get3A_358 : vector<16xf32>
          %max3A_408 = arith.constant 0.000000e+00 : f32
          %max3A_409 = vector.broadcast %max3A_408 : f32 to vector<16xf32>
          %max3A_410 = arith.maximumf %sub3A_407, %max3A_409 : vector<16xf32>
          %add3A_411 = arith.addf %add3A_399, %max3A_410 : vector<16xf32>
          %sub3A_412 = vector.broadcast %squeeze3A_325 : f32 to vector<16xf32>
          %sub3A_413 = arith.subf %sub3A_412, %get3A_358 : vector<16xf32>
          %max3A_414 = arith.constant 0.000000e+00 : f32
          %max3A_415 = vector.broadcast %max3A_414 : f32 to vector<16xf32>
          %max3A_416 = arith.maximumf %sub3A_413, %max3A_415 : vector<16xf32>
          %add3A_417 = arith.addf %add3A_405, %max3A_416 : vector<16xf32>
          %sub3A_418 = vector.broadcast %squeeze3A_327 : f32 to vector<16xf32>
          %sub3A_419 = arith.subf %sub3A_418, %get3A_358 : vector<16xf32>
          %max3A_420 = arith.constant 0.000000e+00 : f32
          %max3A_421 = vector.broadcast %max3A_420 : f32 to vector<16xf32>
          %max3A_422 = arith.maximumf %sub3A_419, %max3A_421 : vector<16xf32>
          %add3A_423 = arith.addf %add3A_411, %max3A_422 : vector<16xf32>
          %sub3A_424 = vector.broadcast %squeeze3A_329 : f32 to vector<16xf32>
          %sub3A_425 = arith.subf %sub3A_424, %get3A_358 : vector<16xf32>
          %max3A_426 = arith.constant 0.000000e+00 : f32
          %max3A_427 = vector.broadcast %max3A_426 : f32 to vector<16xf32>
          %max3A_428 = arith.maximumf %sub3A_425, %max3A_427 : vector<16xf32>
          %add3A_429 = arith.addf %add3A_417, %max3A_428 : vector<16xf32>
          %sub3A_430 = vector.broadcast %squeeze3A_331 : f32 to vector<16xf32>
          %sub3A_431 = arith.subf %sub3A_430, %get3A_358 : vector<16xf32>
          %max3A_432 = arith.constant 0.000000e+00 : f32
          %max3A_433 = vector.broadcast %max3A_432 : f32 to vector<16xf32>
          %max3A_434 = arith.maximumf %sub3A_431, %max3A_433 : vector<16xf32>
          %add3A_435 = arith.addf %add3A_423, %max3A_434 : vector<16xf32>
          %sub3A_436 = vector.broadcast %squeeze3A_333 : f32 to vector<16xf32>
          %sub3A_437 = arith.subf %sub3A_436, %get3A_358 : vector<16xf32>
          %max3A_438 = arith.constant 0.000000e+00 : f32
          %max3A_439 = vector.broadcast %max3A_438 : f32 to vector<16xf32>
          %max3A_440 = arith.maximumf %sub3A_437, %max3A_439 : vector<16xf32>
          %add3A_441 = arith.addf %add3A_429, %max3A_440 : vector<16xf32>
          %sub3A_442 = vector.broadcast %squeeze3A_335 : f32 to vector<16xf32>
          %sub3A_443 = arith.subf %sub3A_442, %get3A_358 : vector<16xf32>
          %max3A_444 = arith.constant 0.000000e+00 : f32
          %max3A_445 = vector.broadcast %max3A_444 : f32 to vector<16xf32>
          %max3A_446 = arith.maximumf %sub3A_443, %max3A_445 : vector<16xf32>
          %add3A_447 = arith.addf %add3A_435, %max3A_446 : vector<16xf32>
          %sub3A_448 = vector.broadcast %squeeze3A_337 : f32 to vector<16xf32>
          %sub3A_449 = arith.subf %sub3A_448, %get3A_358 : vector<16xf32>
          %max3A_450 = arith.constant 0.000000e+00 : f32
          %max3A_451 = vector.broadcast %max3A_450 : f32 to vector<16xf32>
          %max3A_452 = arith.maximumf %sub3A_449, %max3A_451 : vector<16xf32>
          %add3A_453 = arith.addf %add3A_441, %max3A_452 : vector<16xf32>
          %mul3A_454 = arith.constant 32 : i32
          %mul3A_455 = arith.muli %while3A_349, %mul3A_454 : i32
          %add3A_456 = arith.addi %mul3A_289, %mul3A_455 : i32
          %add3A_457 = arith.constant 16 : i32
          %add3A_458 = arith.addi %add3A_456, %add3A_457 : i32
          %get3A_459 = arith.index_cast %add3A_458 : i32 to index
          %get3A_460 = tpu.vector_load %arg8[%get3A_459] {strides = array<i32>} : memref<8576xf32, #tpu.memory_space<vmem>>, vector<16xf32>,
          %sub3A_461 = vector.broadcast %squeeze3A : f32 to vector<16xf32>
          %sub3A_462 = arith.subf %sub3A_461, %get3A_460 : vector<16xf32>
          %max3A_463 = arith.constant 0.000000e+00 : f32
          %max3A_464 = vector.broadcast %max3A_463 : f32 to vector<16xf32>
          %max3A_465 = arith.maximumf %sub3A_462, %max3A_464 : vector<16xf32>
          %add3A_466 = arith.addf %add3A_447, %max3A_465 : vector<16xf32>
          %sub3A_467 = vector.broadcast %squeeze3A_309 : f32 to vector<16xf32>
          %sub3A_468 = arith.subf %sub3A_467, %get3A_460 : vector<16xf32>
          %max3A_469 = arith.constant 0.000000e+00 : f32
          %max3A_470 = vector.broadcast %max3A_469 : f32 to vector<16xf32>
          %max3A_471 = arith.maximumf %sub3A_468, %max3A_470 : vector<16xf32>
          %add3A_472 = arith.addf %add3A_453, %max3A_471 : vector<16xf32>
          %sub3A_473 = vector.broadcast %squeeze3A_311 : f32 to vector<16xf32>
          %sub3A_474 = arith.subf %sub3A_473, %get3A_460 : vector<16xf32>
          %max3A_475 = arith.constant 0.000000e+00 : f32
          %max3A_476 = vector.broadcast %max3A_475 : f32 to vector<16xf32>
          %max3A_477 = arith.maximumf %sub3A_474, %max3A_476 : vector<16xf32>
          %add3A_478 = arith.addf %add3A_466, %max3A_477 : vector<16xf32>
          %sub3A_479 = vector.broadcast %squeeze3A_313 : f32 to vector<16xf32>
          %sub3A_480 = arith.subf %sub3A_479, %get3A_460 : vector<16xf32>
          %max3A_481 = arith.constant 0.000000e+00 : f32
          %max3A_482 = vector.broadcast %max3A_481 : f32 to vector<16xf32>
          %max3A_483 = arith.maximumf %sub3A_480, %max3A_482 : vector<16xf32>
          %add3A_484 = arith.addf %add3A_472, %max3A_483 : vector<16xf32>
          %sub3A_485 = vector.broadcast %squeeze3A_315 : f32 to vector<16xf32>
          %sub3A_486 = arith.subf %sub3A_485, %get3A_460 : vector<16xf32>
          %max3A_487 = arith.constant 0.000000e+00 : f32
          %max3A_488 = vector.broadcast %max3A_487 : f32 to vector<16xf32>
          %max3A_489 = arith.maximumf %sub3A_486, %max3A_488 : vector<16xf32>
          %add3A_490 = arith.addf %add3A_478, %max3A_489 : vector<16xf32>
          %sub3A_491 = vector.broadcast %squeeze3A_317 : f32 to vector<16xf32>
          %sub3A_492 = arith.subf %sub3A_491, %get3A_460 : vector<16xf32>
          %max3A_493 = arith.constant 0.000000e+00 : f32
          %max3A_494 = vector.broadcast %max3A_493 : f32 to vector<16xf32>
          %max3A_495 = arith.maximumf %sub3A_492, %max3A_494 : vector<16xf32>
          %add3A_496 = arith.addf %add3A_484, %max3A_495 : vector<16xf32>
          %sub3A_497 = vector.broadcast %squeeze3A_319 : f32 to vector<16xf32>
          %sub3A_498 = arith.subf %sub3A_497, %get3A_460 : vector<16xf32>
          %max3A_499 = arith.constant 0.000000e+00 : f32
          %max3A_500 = vector.broadcast %max3A_499 : f32 to vector<16xf32>
          %max3A_501 = arith.maximumf %sub3A_498, %max3A_500 : vector<16xf32>
          %add3A_502 = arith.addf %add3A_490, %max3A_501 : vector<16xf32>
          %sub3A_503 = vector.broadcast %squeeze3A_321 : f32 to vector<16xf32>
          %sub3A_504 = arith.subf %sub3A_503, %get3A_460 : vector<16xf32>
          %max3A_505 = arith.constant 0.000000e+00 : f32
          %max3A_506 = vector.broadcast %max3A_505 : f32 to vector<16xf32>
          %max3A_507 = arith.maximumf %sub3A_504, %max3A_506 : vector<16xf32>
          %add3A_508 = arith.addf %add3A_496, %max3A_507 : vector<16xf32>
          %sub3A_509 = vector.broadcast %squeeze3A_323 : f32 to vector<16xf32>
          %sub3A_510 = arith.subf %sub3A_509, %get3A_460 : vector<16xf32>
          %max3A_511 = arith.constant 0.000000e+00 : f32
          %max3A_512 = vector.broadcast %max3A_511 : f32 to vector<16xf32>
          %max3A_513 = arith.maximumf %sub3A_510, %max3A_512 : vector<16xf32>
          %add3A_514 = arith.addf %add3A_502, %max3A_513 : vector<16xf32>
          %sub3A_515 = vector.broadcast %squeeze3A_325 : f32 to vector<16xf32>
          %sub3A_516 = arith.subf %sub3A_515, %get3A_460 : vector<16xf32>
          %max3A_517 = arith.constant 0.000000e+00 : f32
          %max3A_518 = vector.broadcast %max3A_517 : f32 to vector<16xf32>
          %max3A_519 = arith.maximumf %sub3A_516, %max3A_518 : vector<16xf32>
          %add3A_520 = arith.addf %add3A_508, %max3A_519 : vector<16xf32>
          %sub3A_521 = vector.broadcast %squeeze3A_327 : f32 to vector<16xf32>
          %sub3A_522 = arith.subf %sub3A_521, %get3A_460 : vector<16xf32>
          %max3A_523 = arith.constant 0.000000e+00 : f32
          %max3A_524 = vector.broadcast %max3A_523 : f32 to vector<16xf32>
          %max3A_525 = arith.maximumf %sub3A_522, %max3A_524 : vector<16xf32>
          %add3A_526 = arith.addf %add3A_514, %max3A_525 : vector<16xf32>
          %sub3A_527 = vector.broadcast %squeeze3A_329 : f32 to vector<16xf32>
          %sub3A_528 = arith.subf %sub3A_527, %get3A_460 : vector<16xf32>
          %max3A_529 = arith.constant 0.000000e+00 : f32
          %max3A_530 = vector.broadcast %max3A_529 : f32 to vector<16xf32>
          %max3A_531 = arith.maximumf %sub3A_528, %max3A_530 : vector<16xf32>
          %add3A_532 = arith.addf %add3A_520, %max3A_531 : vector<16xf32>
          %sub3A_533 = vector.broadcast %squeeze3A_331 : f32 to vector<16xf32>
          %sub3A_534 = arith.subf %sub3A_533, %get3A_460 : vector<16xf32>
          %max3A_535 = arith.constant 0.000000e+00 : f32
          %max3A_536 = vector.broadcast %max3A_535 : f32 to vector<16xf32>
          %max3A_537 = arith.maximumf %sub3A_534, %max3A_536 : vector<16xf32>
          %add3A_538 = arith.addf %add3A_526, %max3A_537 : vector<16xf32>
          %sub3A_539 = vector.broadcast %squeeze3A_333 : f32 to vector<16xf32>
          %sub3A_540 = arith.subf %sub3A_539, %get3A_460 : vector<16xf32>
          %max3A_541 = arith.constant 0.000000e+00 : f32
          %max3A_542 = vector.broadcast %max3A_541 : f32 to vector<16xf32>
          %max3A_543 = arith.maximumf %sub3A_540, %max3A_542 : vector<16xf32>
          %add3A_544 = arith.addf %add3A_532, %max3A_543 : vector<16xf32>
          %sub3A_545 = vector.broadcast %squeeze3A_335 : f32 to vector<16xf32>
          %sub3A_546 = arith.subf %sub3A_545, %get3A_460 : vector<16xf32>
          %max3A_547 = arith.constant 0.000000e+00 : f32
          %max3A_548 = vector.broadcast %max3A_547 : f32 to vector<16xf32>
          %max3A_549 = arith.maximumf %sub3A_546, %max3A_548 : vector<16xf32>
          %add3A_550 = arith.addf %add3A_538, %max3A_549 : vector<16xf32>
          %sub3A_551 = vector.broadcast %squeeze3A_337 : f32 to vector<16xf32>
          %sub3A_552 = arith.subf %sub3A_551, %get3A_460 : vector<16xf32>
          %max3A_553 = arith.constant 0.000000e+00 : f32
          %max3A_554 = vector.broadcast %max3A_553 : f32 to vector<16xf32>
          %max3A_555 = arith.maximumf %sub3A_552, %max3A_554 : vector<16xf32>
          %add3A_556 = arith.addf %add3A_544, %max3A_555 : vector<16xf32>
          scf.yield %add3A_550, %add3A_556 : vector<16xf32>, vector<16xf32>
        }
        %while3A_347 = arith.constant 1 : i32
        %while3A_348:2 = scf.for %while3A_349 = %while3A_344 to %while3A_340 step %while3A_347 iter_args(%while3A_350 = %while3A_346#0, %while3A_351 = %while3A_346#1) -> (vector<16xf32>, vector<16xf32>)  : i32 {
          %mul3A_352 = arith.constant 32 : i32
          %mul3A_353 = arith.muli %while3A_349, %mul3A_352 : i32
          %add3A_354 = arith.addi %mul3A_289, %mul3A_353 : i32
          %add3A_355 = arith.constant 0 : i32
          %add3A_356 = arith.addi %add3A_354, %add3A_355 : i32
          %get3A_357 = arith.index_cast %add3A_356 : i32 to index
          %get3A_358 = tpu.vector_load %arg8[%get3A_357] {strides = array<i32>} : memref<8576xf32, #tpu.memory_space<vmem>>, vector<16xf32>,
          %sub3A_359 = vector.broadcast %squeeze3A : f32 to vector<16xf32>
          %sub3A_360 = arith.subf %sub3A_359, %get3A_358 : vector<16xf32>
          %max3A = arith.constant 0.000000e+00 : f32
          %max3A_361 = vector.broadcast %max3A : f32 to vector<16xf32>
          %max3A_362 = arith.maximumf %sub3A_360, %max3A_361 : vector<16xf32>
          %add3A_363 = arith.addf %while3A_350, %max3A_362 : vector<16xf32>
          %sub3A_364 = vector.broadcast %squeeze3A_309 : f32 to vector<16xf32>
          %sub3A_365 = arith.subf %sub3A_364, %get3A_358 : vector<16xf32>
          %max3A_366 = arith.constant 0.000000e+00 : f32
          %max3A_367 = vector.broadcast %max3A_366 : f32 to vector<16xf32>
          %max3A_368 = arith.maximumf %sub3A_365, %max3A_367 : vector<16xf32>
          %add3A_369 = arith.addf %while3A_351, %max3A_368 : vector<16xf32>
          %sub3A_370 = vector.broadcast %squeeze3A_311 : f32 to vector<16xf32>
          %sub3A_371 = arith.subf %sub3A_370, %get3A_358 : vector<16xf32>
          %max3A_372 = arith.constant 0.000000e+00 : f32
          %max3A_373 = vector.broadcast %max3A_372 : f32 to vector<16xf32>
          %max3A_374 = arith.maximumf %sub3A_371, %max3A_373 : vector<16xf32>
          %add3A_375 = arith.addf %add3A_363, %max3A_374 : vector<16xf32>
          %sub3A_376 = vector.broadcast %squeeze3A_313 : f32 to vector<16xf32>
          %sub3A_377 = arith.subf %sub3A_376, %get3A_358 : vector<16xf32>
          %max3A_378 = arith.constant 0.000000e+00 : f32
          %max3A_379 = vector.broadcast %max3A_378 : f32 to vector<16xf32>
          %max3A_380 = arith.maximumf %sub3A_377, %max3A_379 : vector<16xf32>
          %add3A_381 = arith.addf %add3A_369, %max3A_380 : vector<16xf32>
          %sub3A_382 = vector.broadcast %squeeze3A_315 : f32 to vector<16xf32>
          %sub3A_383 = arith.subf %sub3A_382, %get3A_358 : vector<16xf32>
          %max3A_384 = arith.constant 0.000000e+00 : f32
          %max3A_385 = vector.broadcast %max3A_384 : f32 to vector<16xf32>
          %max3A_386 = arith.maximumf %sub3A_383, %max3A_385 : vector<16xf32>
          %add3A_387 = arith.addf %add3A_375, %max3A_386 : vector<16xf32>
          %sub3A_388 = vector.broadcast %squeeze3A_317 : f32 to vector<16xf32>
          %sub3A_389 = arith.subf %sub3A_388, %get3A_358 : vector<16xf32>
          %max3A_390 = arith.constant 0.000000e+00 : f32
          %max3A_391 = vector.broadcast %max3A_390 : f32 to vector<16xf32>
          %max3A_392 = arith.maximumf %sub3A_389, %max3A_391 : vector<16xf32>
          %add3A_393 = arith.addf %add3A_381, %max3A_392 : vector<16xf32>
          %sub3A_394 = vector.broadcast %squeeze3A_319 : f32 to vector<16xf32>
          %sub3A_395 = arith.subf %sub3A_394, %get3A_358 : vector<16xf32>
          %max3A_396 = arith.constant 0.000000e+00 : f32
          %max3A_397 = vector.broadcast %max3A_396 : f32 to vector<16xf32>
          %max3A_398 = arith.maximumf %sub3A_395, %max3A_397 : vector<16xf32>
          %add3A_399 = arith.addf %add3A_387, %max3A_398 : vector<16xf32>
          %sub3A_400 = vector.broadcast %squeeze3A_321 : f32 to vector<16xf32>
          %sub3A_401 = arith.subf %sub3A_400, %get3A_358 : vector<16xf32>
          %max3A_402 = arith.constant 0.000000e+00 : f32
          %max3A_403 = vector.broadcast %max3A_402 : f32 to vector<16xf32>
          %max3A_404 = arith.maximumf %sub3A_401, %max3A_403 : vector<16xf32>
          %add3A_405 = arith.addf %add3A_393, %max3A_404 : vector<16xf32>
          %sub3A_406 = vector.broadcast %squeeze3A_323 : f32 to vector<16xf32>
          %sub3A_407 = arith.subf %sub3A_406, %get3A_358 : vector<16xf32>
          %max3A_408 = arith.constant 0.000000e+00 : f32
          %max3A_409 = vector.broadcast %max3A_408 : f32 to vector<16xf32>
          %max3A_410 = arith.maximumf %sub3A_407, %max3A_409 : vector<16xf32>
          %add3A_411 = arith.addf %add3A_399, %max3A_410 : vector<16xf32>
          %sub3A_412 = vector.broadcast %squeeze3A_325 : f32 to vector<16xf32>
          %sub3A_413 = arith.subf %sub3A_412, %get3A_358 : vector<16xf32>
          %max3A_414 = arith.constant 0.000000e+00 : f32
          %max3A_415 = vector.broadcast %max3A_414 : f32 to vector<16xf32>
          %max3A_416 = arith.maximumf %sub3A_413, %max3A_415 : vector<16xf32>
          %add3A_417 = arith.addf %add3A_405, %max3A_416 : vector<16xf32>
          %sub3A_418 = vector.broadcast %squeeze3A_327 : f32 to vector<16xf32>
          %sub3A_419 = arith.subf %sub3A_418, %get3A_358 : vector<16xf32>
          %max3A_420 = arith.constant 0.000000e+00 : f32
          %max3A_421 = vector.broadcast %max3A_420 : f32 to vector<16xf32>
          %max3A_422 = arith.maximumf %sub3A_419, %max3A_421 : vector<16xf32>
          %add3A_423 = arith.addf %add3A_411, %max3A_422 : vector<16xf32>
          %sub3A_424 = vector.broadcast %squeeze3A_329 : f32 to vector<16xf32>
          %sub3A_425 = arith.subf %sub3A_424, %get3A_358 : vector<16xf32>
          %max3A_426 = arith.constant 0.000000e+00 : f32
          %max3A_427 = vector.broadcast %max3A_426 : f32 to vector<16xf32>
          %max3A_428 = arith.maximumf %sub3A_425, %max3A_427 : vector<16xf32>
          %add3A_429 = arith.addf %add3A_417, %max3A_428 : vector<16xf32>
          %sub3A_430 = vector.broadcast %squeeze3A_331 : f32 to vector<16xf32>
          %sub3A_431 = arith.subf %sub3A_430, %get3A_358 : vector<16xf32>
          %max3A_432 = arith.constant 0.000000e+00 : f32
          %max3A_433 = vector.broadcast %max3A_432 : f32 to vector<16xf32>
          %max3A_434 = arith.maximumf %sub3A_431, %max3A_433 : vector<16xf32>
          %add3A_435 = arith.addf %add3A_423, %max3A_434 : vector<16xf32>
          %sub3A_436 = vector.broadcast %squeeze3A_333 : f32 to vector<16xf32>
          %sub3A_437 = arith.subf %sub3A_436, %get3A_358 : vector<16xf32>
          %max3A_438 = arith.constant 0.000000e+00 : f32
          %max3A_439 = vector.broadcast %max3A_438 : f32 to vector<16xf32>
          %max3A_440 = arith.maximumf %sub3A_437, %max3A_439 : vector<16xf32>
          %add3A_441 = arith.addf %add3A_429, %max3A_440 : vector<16xf32>
          %sub3A_442 = vector.broadcast %squeeze3A_335 : f32 to vector<16xf32>
          %sub3A_443 = arith.subf %sub3A_442, %get3A_358 : vector<16xf32>
          %max3A_444 = arith.constant 0.000000e+00 : f32
          %max3A_445 = vector.broadcast %max3A_444 : f32 to vector<16xf32>
          %max3A_446 = arith.maximumf %sub3A_443, %max3A_445 : vector<16xf32>
          %add3A_447 = arith.addf %add3A_435, %max3A_446 : vector<16xf32>
          %sub3A_448 = vector.broadcast %squeeze3A_337 : f32 to vector<16xf32>
          %sub3A_449 = arith.subf %sub3A_448, %get3A_358 : vector<16xf32>
          %max3A_450 = arith.constant 0.000000e+00 : f32
          %max3A_451 = vector.broadcast %max3A_450 : f32 to vector<16xf32>
          %max3A_452 = arith.maximumf %sub3A_449, %max3A_451 : vector<16xf32>
          %add3A_453 = arith.addf %add3A_441, %max3A_452 : vector<16xf32>
          %mul3A_454 = arith.constant 32 : i32
          %mul3A_455 = arith.muli %while3A_349, %mul3A_454 : i32
          %add3A_456 = arith.addi %mul3A_289, %mul3A_455 : i32
          %add3A_457 = arith.constant 16 : i32
          %add3A_458 = arith.addi %add3A_456, %add3A_457 : i32
          %get3A_459 = arith.index_cast %add3A_458 : i32 to index
          %get3A_460 = tpu.vector_load %arg8[%get3A_459] {strides = array<i32>} : memref<8576xf32, #tpu.memory_space<vmem>>, vector<16xf32>,
          %sub3A_461 = vector.broadcast %squeeze3A : f32 to vector<16xf32>
          %sub3A_462 = arith.subf %sub3A_461, %get3A_460 : vector<16xf32>
          %max3A_463 = arith.constant 0.000000e+00 : f32
          %max3A_464 = vector.broadcast %max3A_463 : f32 to vector<16xf32>
          %max3A_465 = arith.maximumf %sub3A_462, %max3A_464 : vector<16xf32>
          %add3A_466 = arith.addf %add3A_447, %max3A_465 : vector<16xf32>
          %sub3A_467 = vector.broadcast %squeeze3A_309 : f32 to vector<16xf32>
          %sub3A_468 = arith.subf %sub3A_467, %get3A_460 : vector<16xf32>
          %max3A_469 = arith.constant 0.000000e+00 : f32
          %max3A_470 = vector.broadcast %max3A_469 : f32 to vector<16xf32>
          %max3A_471 = arith.maximumf %sub3A_468, %max3A_470 : vector<16xf32>
          %add3A_472 = arith.addf %add3A_453, %max3A_471 : vector<16xf32>
          %sub3A_473 = vector.broadcast %squeeze3A_311 : f32 to vector<16xf32>
          %sub3A_474 = arith.subf %sub3A_473, %get3A_460 : vector<16xf32>
          %max3A_475 = arith.constant 0.000000e+00 : f32
          %max3A_476 = vector.broadcast %max3A_475 : f32 to vector<16xf32>
          %max3A_477 = arith.maximumf %sub3A_474, %max3A_476 : vector<16xf32>
          %add3A_478 = arith.addf %add3A_466, %max3A_477 : vector<16xf32>
          %sub3A_479 = vector.broadcast %squeeze3A_313 : f32 to vector<16xf32>
          %sub3A_480 = arith.subf %sub3A_479, %get3A_460 : vector<16xf32>
          %max3A_481 = arith.constant 0.000000e+00 : f32
          %max3A_482 = vector.broadcast %max3A_481 : f32 to vector<16xf32>
          %max3A_483 = arith.maximumf %sub3A_480, %max3A_482 : vector<16xf32>
          %add3A_484 = arith.addf %add3A_472, %max3A_483 : vector<16xf32>
          %sub3A_485 = vector.broadcast %squeeze3A_315 : f32 to vector<16xf32>
          %sub3A_486 = arith.subf %sub3A_485, %get3A_460 : vector<16xf32>
          %max3A_487 = arith.constant 0.000000e+00 : f32
          %max3A_488 = vector.broadcast %max3A_487 : f32 to vector<16xf32>
          %max3A_489 = arith.maximumf %sub3A_486, %max3A_488 : vector<16xf32>
          %add3A_490 = arith.addf %add3A_478, %max3A_489 : vector<16xf32>
          %sub3A_491 = vector.broadcast %squeeze3A_317 : f32 to vector<16xf32>
          %sub3A_492 = arith.subf %sub3A_491, %get3A_460 : vector<16xf32>
          %max3A_493 = arith.constant 0.000000e+00 : f32
          %max3A_494 = vector.broadcast %max3A_493 : f32 to vector<16xf32>
          %max3A_495 = arith.maximumf %sub3A_492, %max3A_494 : vector<16xf32>
          %add3A_496 = arith.addf %add3A_484, %max3A_495 : vector<16xf32>
          %sub3A_497 = vector.broadcast %squeeze3A_319 : f32 to vector<16xf32>
          %sub3A_498 = arith.subf %sub3A_497, %get3A_460 : vector<16xf32>
          %max3A_499 = arith.constant 0.000000e+00 : f32
          %max3A_500 = vector.broadcast %max3A_499 : f32 to vector<16xf32>
          %max3A_501 = arith.maximumf %sub3A_498, %max3A_500 : vector<16xf32>
          %add3A_502 = arith.addf %add3A_490, %max3A_501 : vector<16xf32>
          %sub3A_503 = vector.broadcast %squeeze3A_321 : f32 to vector<16xf32>
          %sub3A_504 = arith.subf %sub3A_503, %get3A_460 : vector<16xf32>
          %max3A_505 = arith.constant 0.000000e+00 : f32
          %max3A_506 = vector.broadcast %max3A_505 : f32 to vector<16xf32>
          %max3A_507 = arith.maximumf %sub3A_504, %max3A_506 : vector<16xf32>
          %add3A_508 = arith.addf %add3A_496, %max3A_507 : vector<16xf32>
          %sub3A_509 = vector.broadcast %squeeze3A_323 : f32 to vector<16xf32>
          %sub3A_510 = arith.subf %sub3A_509, %get3A_460 : vector<16xf32>
          %max3A_511 = arith.constant 0.000000e+00 : f32
          %max3A_512 = vector.broadcast %max3A_511 : f32 to vector<16xf32>
          %max3A_513 = arith.maximumf %sub3A_510, %max3A_512 : vector<16xf32>
          %add3A_514 = arith.addf %add3A_502, %max3A_513 : vector<16xf32>
          %sub3A_515 = vector.broadcast %squeeze3A_325 : f32 to vector<16xf32>
          %sub3A_516 = arith.subf %sub3A_515, %get3A_460 : vector<16xf32>
          %max3A_517 = arith.constant 0.000000e+00 : f32
          %max3A_518 = vector.broadcast %max3A_517 : f32 to vector<16xf32>
          %max3A_519 = arith.maximumf %sub3A_516, %max3A_518 : vector<16xf32>
          %add3A_520 = arith.addf %add3A_508, %max3A_519 : vector<16xf32>
          %sub3A_521 = vector.broadcast %squeeze3A_327 : f32 to vector<16xf32>
          %sub3A_522 = arith.subf %sub3A_521, %get3A_460 : vector<16xf32>
          %max3A_523 = arith.constant 0.000000e+00 : f32
          %max3A_524 = vector.broadcast %max3A_523 : f32 to vector<16xf32>
          %max3A_525 = arith.maximumf %sub3A_522, %max3A_524 : vector<16xf32>
          %add3A_526 = arith.addf %add3A_514, %max3A_525 : vector<16xf32>
          %sub3A_527 = vector.broadcast %squeeze3A_329 : f32 to vector<16xf32>
          %sub3A_528 = arith.subf %sub3A_527, %get3A_460 : vector<16xf32>
          %max3A_529 = arith.constant 0.000000e+00 : f32
          %max3A_530 = vector.broadcast %max3A_529 : f32 to vector<16xf32>
          %max3A_531 = arith.maximumf %sub3A_528, %max3A_530 : vector<16xf32>
          %add3A_532 = arith.addf %add3A_520, %max3A_531 : vector<16xf32>
          %sub3A_533 = vector.broadcast %squeeze3A_331 : f32 to vector<16xf32>
          %sub3A_534 = arith.subf %sub3A_533, %get3A_460 : vector<16xf32>
          %max3A_535 = arith.constant 0.000000e+00 : f32
          %max3A_536 = vector.broadcast %max3A_535 : f32 to vector<16xf32>
          %max3A_537 = arith.maximumf %sub3A_534, %max3A_536 : vector<16xf32>
          %add3A_538 = arith.addf %add3A_526, %max3A_537 : vector<16xf32>
          %sub3A_539 = vector.broadcast %squeeze3A_333 : f32 to vector<16xf32>
          %sub3A_540 = arith.subf %sub3A_539, %get3A_460 : vector<16xf32>
          %max3A_541 = arith.constant 0.000000e+00 : f32
          %max3A_542 = vector.broadcast %max3A_541 : f32 to vector<16xf32>
          %max3A_543 = arith.maximumf %sub3A_540, %max3A_542 : vector<16xf32>
          %add3A_544 = arith.addf %add3A_532, %max3A_543 : vector<16xf32>
          %sub3A_545 = vector.broadcast %squeeze3A_335 : f32 to vector<16xf32>
          %sub3A_546 = arith.subf %sub3A_545, %get3A_460 : vector<16xf32>
          %max3A_547 = arith.constant 0.000000e+00 : f32
          %max3A_548 = vector.broadcast %max3A_547 : f32 to vector<16xf32>
          %max3A_549 = arith.maximumf %sub3A_546, %max3A_548 : vector<16xf32>
          %add3A_550 = arith.addf %add3A_538, %max3A_549 : vector<16xf32>
          %sub3A_551 = vector.broadcast %squeeze3A_337 : f32 to vector<16xf32>
          %sub3A_552 = arith.subf %sub3A_551, %get3A_460 : vector<16xf32>
          %max3A_553 = arith.constant 0.000000e+00 : f32
          %max3A_554 = vector.broadcast %max3A_553 : f32 to vector<16xf32>
          %max3A_555 = arith.maximumf %sub3A_552, %max3A_554 : vector<16xf32>
          %add3A_556 = arith.addf %add3A_544, %max3A_555 : vector<16xf32>
          scf.yield %add3A_550, %add3A_556 : vector<16xf32>, vector<16xf32>
        }
        scf.yield %while3A_348#0, %while3A_348#1 : vector<16xf32>, vector<16xf32>
      }
      %while3A_298 = arith.constant 1 : i32
      %while3A_299:2 = scf.for %while3A_300 = %while3A_295 to %while3A_291 step %while3A_298 iter_args(%while3A_301 = %while3A_297#0, %while3A_302 = %while3A_297#1) -> (vector<16xf32>, vector<16xf32>)  : i32 {
        %mul3A_303 = arith.constant 16 : i32
        %mul3A_304 = arith.muli %while3A_300, %mul3A_303 : i32
        %add3A_305 = arith.addi %mul3A_287, %mul3A_304 : i32
        %get3A_306 = arith.index_cast %add3A_305 : i32 to index
        %get3A_307 = tpu.vector_load %arg10[%get3A_306] {strides = array<i32>} : memref<704xf32, #tpu.memory_space<vmem>>, vector<16xf32>,
        %slice3A = vector.extract_strided_slice %get3A_307 {offsets = [0], sizes = [1], strides = [1]} : vector<16xf32> to vector<1xf32>
        %squeeze3A = vector.extract %slice3A[0] : f32 from vector<1xf32>
        %slice3A_308 = vector.extract_strided_slice %get3A_307 {offsets = [1], sizes = [1], strides = [1]} : vector<16xf32> to vector<1xf32>
        %squeeze3A_309 = vector.extract %slice3A_308[0] : f32 from vector<1xf32>
        %slice3A_310 = vector.extract_strided_slice %get3A_307 {offsets = [2], sizes = [1], strides = [1]} : vector<16xf32> to vector<1xf32>
        %squeeze3A_311 = vector.extract %slice3A_310[0] : f32 from vector<1xf32>
        %slice3A_312 = vector.extract_strided_slice %get3A_307 {offsets = [3], sizes = [1], strides = [1]} : vector<16xf32> to vector<1xf32>
        %squeeze3A_313 = vector.extract %slice3A_312[0] : f32 from vector<1xf32>
        %slice3A_314 = vector.extract_strided_slice %get3A_307 {offsets = [4], sizes = [1], strides = [1]} : vector<16xf32> to vector<1xf32>
        %squeeze3A_315 = vector.extract %slice3A_314[0] : f32 from vector<1xf32>
        %slice3A_316 = vector.extract_strided_slice %get3A_307 {offsets = [5], sizes = [1], strides = [1]} : vector<16xf32> to vector<1xf32>
        %squeeze3A_317 = vector.extract %slice3A_316[0] : f32 from vector<1xf32>
        %slice3A_318 = vector.extract_strided_slice %get3A_307 {offsets = [6], sizes = [1], strides = [1]} : vector<16xf32> to vector<1xf32>
        %squeeze3A_319 = vector.extract %slice3A_318[0] : f32 from vector<1xf32>
        %slice3A_320 = vector.extract_strided_slice %get3A_307 {offsets = [7], sizes = [1], strides = [1]} : vector<16xf32> to vector<1xf32>
        %squeeze3A_321 = vector.extract %slice3A_320[0] : f32 from vector<1xf32>
        %slice3A_322 = vector.extract_strided_slice %get3A_307 {offsets = [8], sizes = [1], strides = [1]} : vector<16xf32> to vector<1xf32>
        %squeeze3A_323 = vector.extract %slice3A_322[0] : f32 from vector<1xf32>
        %slice3A_324 = vector.extract_strided_slice %get3A_307 {offsets = [9], sizes = [1], strides = [1]} : vector<16xf32> to vector<1xf32>
        %squeeze3A_325 = vector.extract %slice3A_324[0] : f32 from vector<1xf32>
        %slice3A_326 = vector.extract_strided_slice %get3A_307 {offsets = [10], sizes = [1], strides = [1]} : vector<16xf32> to vector<1xf32>
        %squeeze3A_327 = vector.extract %slice3A_326[0] : f32 from vector<1xf32>
        %slice3A_328 = vector.extract_strided_slice %get3A_307 {offsets = [11], sizes = [1], strides = [1]} : vector<16xf32> to vector<1xf32>
        %squeeze3A_329 = vector.extract %slice3A_328[0] : f32 from vector<1xf32>
        %slice3A_330 = vector.extract_strided_slice %get3A_307 {offsets = [12], sizes = [1], strides = [1]} : vector<16xf32> to vector<1xf32>
        %squeeze3A_331 = vector.extract %slice3A_330[0] : f32 from vector<1xf32>
        %slice3A_332 = vector.extract_strided_slice %get3A_307 {offsets = [13], sizes = [1], strides = [1]} : vector<16xf32> to vector<1xf32>
        %squeeze3A_333 = vector.extract %slice3A_332[0] : f32 from vector<1xf32>
        %slice3A_334 = vector.extract_strided_slice %get3A_307 {offsets = [14], sizes = [1], strides = [1]} : vector<16xf32> to vector<1xf32>
        %squeeze3A_335 = vector.extract %slice3A_334[0] : f32 from vector<1xf32>
        %slice3A_336 = vector.extract_strided_slice %get3A_307 {offsets = [15], sizes = [1], strides = [1]} : vector<16xf32> to vector<1xf32>
        %squeeze3A_337 = vector.extract %slice3A_336[0] : f32 from vector<1xf32>
        %while3A_338 = arith.constant 0 : i32
        %while3A_339 = arith.subi %select_n3A_285, %while3A_338 : i32
        %while3A_340 = arith.addi %while3A_338, %while3A_339 : i32
        %while3A_341 = arith.constant 1 : i32
        %while3A_342 = arith.divsi %while3A_339, %while3A_341 : i32
        %while3A_343 = arith.muli %while3A_342, %while3A_341 : i32
        %while3A_344 = arith.addi %while3A_338, %while3A_343 : i32
        %while3A_345 = arith.constant 1 : i32
        %while3A_346:2 = scf.for %while3A_349 = %while3A_338 to %while3A_344 step %while3A_345 iter_args(%while3A_350 = %while3A_301, %while3A_351 = %while3A_302) -> (vector<16xf32>, vector<16xf32>)  : i32 {
          %mul3A_352 = arith.constant 32 : i32
          %mul3A_353 = arith.muli %while3A_349, %mul3A_352 : i32
          %add3A_354 = arith.addi %mul3A_289, %mul3A_353 : i32
          %add3A_355 = arith.constant 0 : i32
          %add3A_356 = arith.addi %add3A_354, %add3A_355 : i32
          %get3A_357 = arith.index_cast %add3A_356 : i32 to index
          %get3A_358 = tpu.vector_load %arg8[%get3A_357] {strides = array<i32>} : memref<8576xf32, #tpu.memory_space<vmem>>, vector<16xf32>,
          %sub3A_359 = vector.broadcast %squeeze3A : f32 to vector<16xf32>
          %sub3A_360 = arith.subf %sub3A_359, %get3A_358 : vector<16xf32>
          %max3A = arith.constant 0.000000e+00 : f32
          %max3A_361 = vector.broadcast %max3A : f32 to vector<16xf32>
          %max3A_362 = arith.maximumf %sub3A_360, %max3A_361 : vector<16xf32>
          %add3A_363 = arith.addf %while3A_350, %max3A_362 : vector<16xf32>
          %sub3A_364 = vector.broadcast %squeeze3A_309 : f32 to vector<16xf32>
          %sub3A_365 = arith.subf %sub3A_364, %get3A_358 : vector<16xf32>
          %max3A_366 = arith.constant 0.000000e+00 : f32
          %max3A_367 = vector.broadcast %max3A_366 : f32 to vector<16xf32>
          %max3A_368 = arith.maximumf %sub3A_365, %max3A_367 : vector<16xf32>
          %add3A_369 = arith.addf %while3A_351, %max3A_368 : vector<16xf32>
          %sub3A_370 = vector.broadcast %squeeze3A_311 : f32 to vector<16xf32>
          %sub3A_371 = arith.subf %sub3A_370, %get3A_358 : vector<16xf32>
          %max3A_372 = arith.constant 0.000000e+00 : f32
          %max3A_373 = vector.broadcast %max3A_372 : f32 to vector<16xf32>
          %max3A_374 = arith.maximumf %sub3A_371, %max3A_373 : vector<16xf32>
          %add3A_375 = arith.addf %add3A_363, %max3A_374 : vector<16xf32>
          %sub3A_376 = vector.broadcast %squeeze3A_313 : f32 to vector<16xf32>
          %sub3A_377 = arith.subf %sub3A_376, %get3A_358 : vector<16xf32>
          %max3A_378 = arith.constant 0.000000e+00 : f32
          %max3A_379 = vector.broadcast %max3A_378 : f32 to vector<16xf32>
          %max3A_380 = arith.maximumf %sub3A_377, %max3A_379 : vector<16xf32>
          %add3A_381 = arith.addf %add3A_369, %max3A_380 : vector<16xf32>
          %sub3A_382 = vector.broadcast %squeeze3A_315 : f32 to vector<16xf32>
          %sub3A_383 = arith.subf %sub3A_382, %get3A_358 : vector<16xf32>
          %max3A_384 = arith.constant 0.000000e+00 : f32
          %max3A_385 = vector.broadcast %max3A_384 : f32 to vector<16xf32>
          %max3A_386 = arith.maximumf %sub3A_383, %max3A_385 : vector<16xf32>
          %add3A_387 = arith.addf %add3A_375, %max3A_386 : vector<16xf32>
          %sub3A_388 = vector.broadcast %squeeze3A_317 : f32 to vector<16xf32>
          %sub3A_389 = arith.subf %sub3A_388, %get3A_358 : vector<16xf32>
          %max3A_390 = arith.constant 0.000000e+00 : f32
          %max3A_391 = vector.broadcast %max3A_390 : f32 to vector<16xf32>
          %max3A_392 = arith.maximumf %sub3A_389, %max3A_391 : vector<16xf32>
          %add3A_393 = arith.addf %add3A_381, %max3A_392 : vector<16xf32>
          %sub3A_394 = vector.broadcast %squeeze3A_319 : f32 to vector<16xf32>
          %sub3A_395 = arith.subf %sub3A_394, %get3A_358 : vector<16xf32>
          %max3A_396 = arith.constant 0.000000e+00 : f32
          %max3A_397 = vector.broadcast %max3A_396 : f32 to vector<16xf32>
          %max3A_398 = arith.maximumf %sub3A_395, %max3A_397 : vector<16xf32>
          %add3A_399 = arith.addf %add3A_387, %max3A_398 : vector<16xf32>
          %sub3A_400 = vector.broadcast %squeeze3A_321 : f32 to vector<16xf32>
          %sub3A_401 = arith.subf %sub3A_400, %get3A_358 : vector<16xf32>
          %max3A_402 = arith.constant 0.000000e+00 : f32
          %max3A_403 = vector.broadcast %max3A_402 : f32 to vector<16xf32>
          %max3A_404 = arith.maximumf %sub3A_401, %max3A_403 : vector<16xf32>
          %add3A_405 = arith.addf %add3A_393, %max3A_404 : vector<16xf32>
          %sub3A_406 = vector.broadcast %squeeze3A_323 : f32 to vector<16xf32>
          %sub3A_407 = arith.subf %sub3A_406, %get3A_358 : vector<16xf32>
          %max3A_408 = arith.constant 0.000000e+00 : f32
          %max3A_409 = vector.broadcast %max3A_408 : f32 to vector<16xf32>
          %max3A_410 = arith.maximumf %sub3A_407, %max3A_409 : vector<16xf32>
          %add3A_411 = arith.addf %add3A_399, %max3A_410 : vector<16xf32>
          %sub3A_412 = vector.broadcast %squeeze3A_325 : f32 to vector<16xf32>
          %sub3A_413 = arith.subf %sub3A_412, %get3A_358 : vector<16xf32>
          %max3A_414 = arith.constant 0.000000e+00 : f32
          %max3A_415 = vector.broadcast %max3A_414 : f32 to vector<16xf32>
          %max3A_416 = arith.maximumf %sub3A_413, %max3A_415 : vector<16xf32>
          %add3A_417 = arith.addf %add3A_405, %max3A_416 : vector<16xf32>
          %sub3A_418 = vector.broadcast %squeeze3A_327 : f32 to vector<16xf32>
          %sub3A_419 = arith.subf %sub3A_418, %get3A_358 : vector<16xf32>
          %max3A_420 = arith.constant 0.000000e+00 : f32
          %max3A_421 = vector.broadcast %max3A_420 : f32 to vector<16xf32>
          %max3A_422 = arith.maximumf %sub3A_419, %max3A_421 : vector<16xf32>
          %add3A_423 = arith.addf %add3A_411, %max3A_422 : vector<16xf32>
          %sub3A_424 = vector.broadcast %squeeze3A_329 : f32 to vector<16xf32>
          %sub3A_425 = arith.subf %sub3A_424, %get3A_358 : vector<16xf32>
          %max3A_426 = arith.constant 0.000000e+00 : f32
          %max3A_427 = vector.broadcast %max3A_426 : f32 to vector<16xf32>
          %max3A_428 = arith.maximumf %sub3A_425, %max3A_427 : vector<16xf32>
          %add3A_429 = arith.addf %add3A_417, %max3A_428 : vector<16xf32>
          %sub3A_430 = vector.broadcast %squeeze3A_331 : f32 to vector<16xf32>
          %sub3A_431 = arith.subf %sub3A_430, %get3A_358 : vector<16xf32>
          %max3A_432 = arith.constant 0.000000e+00 : f32
          %max3A_433 = vector.broadcast %max3A_432 : f32 to vector<16xf32>
          %max3A_434 = arith.maximumf %sub3A_431, %max3A_433 : vector<16xf32>
          %add3A_435 = arith.addf %add3A_423, %max3A_434 : vector<16xf32>
          %sub3A_436 = vector.broadcast %squeeze3A_333 : f32 to vector<16xf32>
          %sub3A_437 = arith.subf %sub3A_436, %get3A_358 : vector<16xf32>
          %max3A_438 = arith.constant 0.000000e+00 : f32
          %max3A_439 = vector.broadcast %max3A_438 : f32 to vector<16xf32>
          %max3A_440 = arith.maximumf %sub3A_437, %max3A_439 : vector<16xf32>
          %add3A_441 = arith.addf %add3A_429, %max3A_440 : vector<16xf32>
          %sub3A_442 = vector.broadcast %squeeze3A_335 : f32 to vector<16xf32>
          %sub3A_443 = arith.subf %sub3A_442, %get3A_358 : vector<16xf32>
          %max3A_444 = arith.constant 0.000000e+00 : f32
          %max3A_445 = vector.broadcast %max3A_444 : f32 to vector<16xf32>
          %max3A_446 = arith.maximumf %sub3A_443, %max3A_445 : vector<16xf32>
          %add3A_447 = arith.addf %add3A_435, %max3A_446 : vector<16xf32>
          %sub3A_448 = vector.broadcast %squeeze3A_337 : f32 to vector<16xf32>
          %sub3A_449 = arith.subf %sub3A_448, %get3A_358 : vector<16xf32>
          %max3A_450 = arith.constant 0.000000e+00 : f32
          %max3A_451 = vector.broadcast %max3A_450 : f32 to vector<16xf32>
          %max3A_452 = arith.maximumf %sub3A_449, %max3A_451 : vector<16xf32>
          %add3A_453 = arith.addf %add3A_441, %max3A_452 : vector<16xf32>
          %mul3A_454 = arith.constant 32 : i32
          %mul3A_455 = arith.muli %while3A_349, %mul3A_454 : i32
          %add3A_456 = arith.addi %mul3A_289, %mul3A_455 : i32
          %add3A_457 = arith.constant 16 : i32
          %add3A_458 = arith.addi %add3A_456, %add3A_457 : i32
          %get3A_459 = arith.index_cast %add3A_458 : i32 to index
          %get3A_460 = tpu.vector_load %arg8[%get3A_459] {strides = array<i32>} : memref<8576xf32, #tpu.memory_space<vmem>>, vector<16xf32>,
          %sub3A_461 = vector.broadcast %squeeze3A : f32 to vector<16xf32>
          %sub3A_462 = arith.subf %sub3A_461, %get3A_460 : vector<16xf32>
          %max3A_463 = arith.constant 0.000000e+00 : f32
          %max3A_464 = vector.broadcast %max3A_463 : f32 to vector<16xf32>
          %max3A_465 = arith.maximumf %sub3A_462, %max3A_464 : vector<16xf32>
          %add3A_466 = arith.addf %add3A_447, %max3A_465 : vector<16xf32>
          %sub3A_467 = vector.broadcast %squeeze3A_309 : f32 to vector<16xf32>
          %sub3A_468 = arith.subf %sub3A_467, %get3A_460 : vector<16xf32>
          %max3A_469 = arith.constant 0.000000e+00 : f32
          %max3A_470 = vector.broadcast %max3A_469 : f32 to vector<16xf32>
          %max3A_471 = arith.maximumf %sub3A_468, %max3A_470 : vector<16xf32>
          %add3A_472 = arith.addf %add3A_453, %max3A_471 : vector<16xf32>
          %sub3A_473 = vector.broadcast %squeeze3A_311 : f32 to vector<16xf32>
          %sub3A_474 = arith.subf %sub3A_473, %get3A_460 : vector<16xf32>
          %max3A_475 = arith.constant 0.000000e+00 : f32
          %max3A_476 = vector.broadcast %max3A_475 : f32 to vector<16xf32>
          %max3A_477 = arith.maximumf %sub3A_474, %max3A_476 : vector<16xf32>
          %add3A_478 = arith.addf %add3A_466, %max3A_477 : vector<16xf32>
          %sub3A_479 = vector.broadcast %squeeze3A_313 : f32 to vector<16xf32>
          %sub3A_480 = arith.subf %sub3A_479, %get3A_460 : vector<16xf32>
          %max3A_481 = arith.constant 0.000000e+00 : f32
          %max3A_482 = vector.broadcast %max3A_481 : f32 to vector<16xf32>
          %max3A_483 = arith.maximumf %sub3A_480, %max3A_482 : vector<16xf32>
          %add3A_484 = arith.addf %add3A_472, %max3A_483 : vector<16xf32>
          %sub3A_485 = vector.broadcast %squeeze3A_315 : f32 to vector<16xf32>
          %sub3A_486 = arith.subf %sub3A_485, %get3A_460 : vector<16xf32>
          %max3A_487 = arith.constant 0.000000e+00 : f32
          %max3A_488 = vector.broadcast %max3A_487 : f32 to vector<16xf32>
          %max3A_489 = arith.maximumf %sub3A_486, %max3A_488 : vector<16xf32>
          %add3A_490 = arith.addf %add3A_478, %max3A_489 : vector<16xf32>
          %sub3A_491 = vector.broadcast %squeeze3A_317 : f32 to vector<16xf32>
          %sub3A_492 = arith.subf %sub3A_491, %get3A_460 : vector<16xf32>
          %max3A_493 = arith.constant 0.000000e+00 : f32
          %max3A_494 = vector.broadcast %max3A_493 : f32 to vector<16xf32>
          %max3A_495 = arith.maximumf %sub3A_492, %max3A_494 : vector<16xf32>
          %add3A_496 = arith.addf %add3A_484, %max3A_495 : vector<16xf32>
          %sub3A_497 = vector.broadcast %squeeze3A_319 : f32 to vector<16xf32>
          %sub3A_498 = arith.subf %sub3A_497, %get3A_460 : vector<16xf32>
          %max3A_499 = arith.constant 0.000000e+00 : f32
          %max3A_500 = vector.broadcast %max3A_499 : f32 to vector<16xf32>
          %max3A_501 = arith.maximumf %sub3A_498, %max3A_500 : vector<16xf32>
          %add3A_502 = arith.addf %add3A_490, %max3A_501 : vector<16xf32>
          %sub3A_503 = vector.broadcast %squeeze3A_321 : f32 to vector<16xf32>
          %sub3A_504 = arith.subf %sub3A_503, %get3A_460 : vector<16xf32>
          %max3A_505 = arith.constant 0.000000e+00 : f32
          %max3A_506 = vector.broadcast %max3A_505 : f32 to vector<16xf32>
          %max3A_507 = arith.maximumf %sub3A_504, %max3A_506 : vector<16xf32>
          %add3A_508 = arith.addf %add3A_496, %max3A_507 : vector<16xf32>
          %sub3A_509 = vector.broadcast %squeeze3A_323 : f32 to vector<16xf32>
          %sub3A_510 = arith.subf %sub3A_509, %get3A_460 : vector<16xf32>
          %max3A_511 = arith.constant 0.000000e+00 : f32
          %max3A_512 = vector.broadcast %max3A_511 : f32 to vector<16xf32>
          %max3A_513 = arith.maximumf %sub3A_510, %max3A_512 : vector<16xf32>
          %add3A_514 = arith.addf %add3A_502, %max3A_513 : vector<16xf32>
          %sub3A_515 = vector.broadcast %squeeze3A_325 : f32 to vector<16xf32>
          %sub3A_516 = arith.subf %sub3A_515, %get3A_460 : vector<16xf32>
          %max3A_517 = arith.constant 0.000000e+00 : f32
          %max3A_518 = vector.broadcast %max3A_517 : f32 to vector<16xf32>
          %max3A_519 = arith.maximumf %sub3A_516, %max3A_518 : vector<16xf32>
          %add3A_520 = arith.addf %add3A_508, %max3A_519 : vector<16xf32>
          %sub3A_521 = vector.broadcast %squeeze3A_327 : f32 to vector<16xf32>
          %sub3A_522 = arith.subf %sub3A_521, %get3A_460 : vector<16xf32>
          %max3A_523 = arith.constant 0.000000e+00 : f32
          %max3A_524 = vector.broadcast %max3A_523 : f32 to vector<16xf32>
          %max3A_525 = arith.maximumf %sub3A_522, %max3A_524 : vector<16xf32>
          %add3A_526 = arith.addf %add3A_514, %max3A_525 : vector<16xf32>
          %sub3A_527 = vector.broadcast %squeeze3A_329 : f32 to vector<16xf32>
          %sub3A_528 = arith.subf %sub3A_527, %get3A_460 : vector<16xf32>
          %max3A_529 = arith.constant 0.000000e+00 : f32
          %max3A_530 = vector.broadcast %max3A_529 : f32 to vector<16xf32>
          %max3A_531 = arith.maximumf %sub3A_528, %max3A_530 : vector<16xf32>
          %add3A_532 = arith.addf %add3A_520, %max3A_531 : vector<16xf32>
          %sub3A_533 = vector.broadcast %squeeze3A_331 : f32 to vector<16xf32>
          %sub3A_534 = arith.subf %sub3A_533, %get3A_460 : vector<16xf32>
          %max3A_535 = arith.constant 0.000000e+00 : f32
          %max3A_536 = vector.broadcast %max3A_535 : f32 to vector<16xf32>
          %max3A_537 = arith.maximumf %sub3A_534, %max3A_536 : vector<16xf32>
          %add3A_538 = arith.addf %add3A_526, %max3A_537 : vector<16xf32>
          %sub3A_539 = vector.broadcast %squeeze3A_333 : f32 to vector<16xf32>
          %sub3A_540 = arith.subf %sub3A_539, %get3A_460 : vector<16xf32>
          %max3A_541 = arith.constant 0.000000e+00 : f32
          %max3A_542 = vector.broadcast %max3A_541 : f32 to vector<16xf32>
          %max3A_543 = arith.maximumf %sub3A_540, %max3A_542 : vector<16xf32>
          %add3A_544 = arith.addf %add3A_532, %max3A_543 : vector<16xf32>
          %sub3A_545 = vector.broadcast %squeeze3A_335 : f32 to vector<16xf32>
          %sub3A_546 = arith.subf %sub3A_545, %get3A_460 : vector<16xf32>
          %max3A_547 = arith.constant 0.000000e+00 : f32
          %max3A_548 = vector.broadcast %max3A_547 : f32 to vector<16xf32>
          %max3A_549 = arith.maximumf %sub3A_546, %max3A_548 : vector<16xf32>
          %add3A_550 = arith.addf %add3A_538, %max3A_549 : vector<16xf32>
          %sub3A_551 = vector.broadcast %squeeze3A_337 : f32 to vector<16xf32>
          %sub3A_552 = arith.subf %sub3A_551, %get3A_460 : vector<16xf32>
          %max3A_553 = arith.constant 0.000000e+00 : f32
          %max3A_554 = vector.broadcast %max3A_553 : f32 to vector<16xf32>
          %max3A_555 = arith.maximumf %sub3A_552, %max3A_554 : vector<16xf32>
          %add3A_556 = arith.addf %add3A_544, %max3A_555 : vector<16xf32>
          scf.yield %add3A_550, %add3A_556 : vector<16xf32>, vector<16xf32>
        }
        %while3A_347 = arith.constant 1 : i32
        %while3A_348:2 = scf.for %while3A_349 = %while3A_344 to %while3A_340 step %while3A_347 iter_args(%while3A_350 = %while3A_346#0, %while3A_351 = %while3A_346#1) -> (vector<16xf32>, vector<16xf32>)  : i32 {
          %mul3A_352 = arith.constant 32 : i32
          %mul3A_353 = arith.muli %while3A_349, %mul3A_352 : i32
          %add3A_354 = arith.addi %mul3A_289, %mul3A_353 : i32
          %add3A_355 = arith.constant 0 : i32
          %add3A_356 = arith.addi %add3A_354, %add3A_355 : i32
          %get3A_357 = arith.index_cast %add3A_356 : i32 to index
          %get3A_358 = tpu.vector_load %arg8[%get3A_357] {strides = array<i32>} : memref<8576xf32, #tpu.memory_space<vmem>>, vector<16xf32>,
          %sub3A_359 = vector.broadcast %squeeze3A : f32 to vector<16xf32>
          %sub3A_360 = arith.subf %sub3A_359, %get3A_358 : vector<16xf32>
          %max3A = arith.constant 0.000000e+00 : f32
          %max3A_361 = vector.broadcast %max3A : f32 to vector<16xf32>
          %max3A_362 = arith.maximumf %sub3A_360, %max3A_361 : vector<16xf32>
          %add3A_363 = arith.addf %while3A_350, %max3A_362 : vector<16xf32>
          %sub3A_364 = vector.broadcast %squeeze3A_309 : f32 to vector<16xf32>
          %sub3A_365 = arith.subf %sub3A_364, %get3A_358 : vector<16xf32>
          %max3A_366 = arith.constant 0.000000e+00 : f32
          %max3A_367 = vector.broadcast %max3A_366 : f32 to vector<16xf32>
          %max3A_368 = arith.maximumf %sub3A_365, %max3A_367 : vector<16xf32>
          %add3A_369 = arith.addf %while3A_351, %max3A_368 : vector<16xf32>
          %sub3A_370 = vector.broadcast %squeeze3A_311 : f32 to vector<16xf32>
          %sub3A_371 = arith.subf %sub3A_370, %get3A_358 : vector<16xf32>
          %max3A_372 = arith.constant 0.000000e+00 : f32
          %max3A_373 = vector.broadcast %max3A_372 : f32 to vector<16xf32>
          %max3A_374 = arith.maximumf %sub3A_371, %max3A_373 : vector<16xf32>
          %add3A_375 = arith.addf %add3A_363, %max3A_374 : vector<16xf32>
          %sub3A_376 = vector.broadcast %squeeze3A_313 : f32 to vector<16xf32>
          %sub3A_377 = arith.subf %sub3A_376, %get3A_358 : vector<16xf32>
          %max3A_378 = arith.constant 0.000000e+00 : f32
          %max3A_379 = vector.broadcast %max3A_378 : f32 to vector<16xf32>
          %max3A_380 = arith.maximumf %sub3A_377, %max3A_379 : vector<16xf32>
          %add3A_381 = arith.addf %add3A_369, %max3A_380 : vector<16xf32>
          %sub3A_382 = vector.broadcast %squeeze3A_315 : f32 to vector<16xf32>
          %sub3A_383 = arith.subf %sub3A_382, %get3A_358 : vector<16xf32>
          %max3A_384 = arith.constant 0.000000e+00 : f32
          %max3A_385 = vector.broadcast %max3A_384 : f32 to vector<16xf32>
          %max3A_386 = arith.maximumf %sub3A_383, %max3A_385 : vector<16xf32>
          %add3A_387 = arith.addf %add3A_375, %max3A_386 : vector<16xf32>
          %sub3A_388 = vector.broadcast %squeeze3A_317 : f32 to vector<16xf32>
          %sub3A_389 = arith.subf %sub3A_388, %get3A_358 : vector<16xf32>
          %max3A_390 = arith.constant 0.000000e+00 : f32
          %max3A_391 = vector.broadcast %max3A_390 : f32 to vector<16xf32>
          %max3A_392 = arith.maximumf %sub3A_389, %max3A_391 : vector<16xf32>
          %add3A_393 = arith.addf %add3A_381, %max3A_392 : vector<16xf32>
          %sub3A_394 = vector.broadcast %squeeze3A_319 : f32 to vector<16xf32>
          %sub3A_395 = arith.subf %sub3A_394, %get3A_358 : vector<16xf32>
          %max3A_396 = arith.constant 0.000000e+00 : f32
          %max3A_397 = vector.broadcast %max3A_396 : f32 to vector<16xf32>
          %max3A_398 = arith.maximumf %sub3A_395, %max3A_397 : vector<16xf32>
          %add3A_399 = arith.addf %add3A_387, %max3A_398 : vector<16xf32>
          %sub3A_400 = vector.broadcast %squeeze3A_321 : f32 to vector<16xf32>
          %sub3A_401 = arith.subf %sub3A_400, %get3A_358 : vector<16xf32>
          %max3A_402 = arith.constant 0.000000e+00 : f32
          %max3A_403 = vector.broadcast %max3A_402 : f32 to vector<16xf32>
          %max3A_404 = arith.maximumf %sub3A_401, %max3A_403 : vector<16xf32>
          %add3A_405 = arith.addf %add3A_393, %max3A_404 : vector<16xf32>
          %sub3A_406 = vector.broadcast %squeeze3A_323 : f32 to vector<16xf32>
          %sub3A_407 = arith.subf %sub3A_406, %get3A_358 : vector<16xf32>
          %max3A_408 = arith.constant 0.000000e+00 : f32
          %max3A_409 = vector.broadcast %max3A_408 : f32 to vector<16xf32>
          %max3A_410 = arith.maximumf %sub3A_407, %max3A_409 : vector<16xf32>
          %add3A_411 = arith.addf %add3A_399, %max3A_410 : vector<16xf32>
          %sub3A_412 = vector.broadcast %squeeze3A_325 : f32 to vector<16xf32>
          %sub3A_413 = arith.subf %sub3A_412, %get3A_358 : vector<16xf32>
          %max3A_414 = arith.constant 0.000000e+00 : f32
          %max3A_415 = vector.broadcast %max3A_414 : f32 to vector<16xf32>
          %max3A_416 = arith.maximumf %sub3A_413, %max3A_415 : vector<16xf32>
          %add3A_417 = arith.addf %add3A_405, %max3A_416 : vector<16xf32>
          %sub3A_418 = vector.broadcast %squeeze3A_327 : f32 to vector<16xf32>
          %sub3A_419 = arith.subf %sub3A_418, %get3A_358 : vector<16xf32>
          %max3A_420 = arith.constant 0.000000e+00 : f32
          %max3A_421 = vector.broadcast %max3A_420 : f32 to vector<16xf32>
          %max3A_422 = arith.maximumf %sub3A_419, %max3A_421 : vector<16xf32>
          %add3A_423 = arith.addf %add3A_411, %max3A_422 : vector<16xf32>
          %sub3A_424 = vector.broadcast %squeeze3A_329 : f32 to vector<16xf32>
          %sub3A_425 = arith.subf %sub3A_424, %get3A_358 : vector<16xf32>
          %max3A_426 = arith.constant 0.000000e+00 : f32
          %max3A_427 = vector.broadcast %max3A_426 : f32 to vector<16xf32>
          %max3A_428 = arith.maximumf %sub3A_425, %max3A_427 : vector<16xf32>
          %add3A_429 = arith.addf %add3A_417, %max3A_428 : vector<16xf32>
          %sub3A_430 = vector.broadcast %squeeze3A_331 : f32 to vector<16xf32>
          %sub3A_431 = arith.subf %sub3A_430, %get3A_358 : vector<16xf32>
          %max3A_432 = arith.constant 0.000000e+00 : f32
          %max3A_433 = vector.broadcast %max3A_432 : f32 to vector<16xf32>
          %max3A_434 = arith.maximumf %sub3A_431, %max3A_433 : vector<16xf32>
          %add3A_435 = arith.addf %add3A_423, %max3A_434 : vector<16xf32>
          %sub3A_436 = vector.broadcast %squeeze3A_333 : f32 to vector<16xf32>
          %sub3A_437 = arith.subf %sub3A_436, %get3A_358 : vector<16xf32>
          %max3A_438 = arith.constant 0.000000e+00 : f32
          %max3A_439 = vector.broadcast %max3A_438 : f32 to vector<16xf32>
          %max3A_440 = arith.maximumf %sub3A_437, %max3A_439 : vector<16xf32>
          %add3A_441 = arith.addf %add3A_429, %max3A_440 : vector<16xf32>
          %sub3A_442 = vector.broadcast %squeeze3A_335 : f32 to vector<16xf32>
          %sub3A_443 = arith.subf %sub3A_442, %get3A_358 : vector<16xf32>
          %max3A_444 = arith.constant 0.000000e+00 : f32
          %max3A_445 = vector.broadcast %max3A_444 : f32 to vector<16xf32>
          %max3A_446 = arith.maximumf %sub3A_443, %max3A_445 : vector<16xf32>
          %add3A_447 = arith.addf %add3A_435, %max3A_446 : vector<16xf32>
          %sub3A_448 = vector.broadcast %squeeze3A_337 : f32 to vector<16xf32>
          %sub3A_449 = arith.subf %sub3A_448, %get3A_358 : vector<16xf32>
          %max3A_450 = arith.constant 0.000000e+00 : f32
          %max3A_451 = vector.broadcast %max3A_450 : f32 to vector<16xf32>
          %max3A_452 = arith.maximumf %sub3A_449, %max3A_451 : vector<16xf32>
          %add3A_453 = arith.addf %add3A_441, %max3A_452 : vector<16xf32>
          %mul3A_454 = arith.constant 32 : i32
          %mul3A_455 = arith.muli %while3A_349, %mul3A_454 : i32
          %add3A_456 = arith.addi %mul3A_289, %mul3A_455 : i32
          %add3A_457 = arith.constant 16 : i32
          %add3A_458 = arith.addi %add3A_456, %add3A_457 : i32
          %get3A_459 = arith.index_cast %add3A_458 : i32 to index
          %get3A_460 = tpu.vector_load %arg8[%get3A_459] {strides = array<i32>} : memref<8576xf32, #tpu.memory_space<vmem>>, vector<16xf32>,
          %sub3A_461 = vector.broadcast %squeeze3A : f32 to vector<16xf32>
          %sub3A_462 = arith.subf %sub3A_461, %get3A_460 : vector<16xf32>
          %max3A_463 = arith.constant 0.000000e+00 : f32
          %max3A_464 = vector.broadcast %max3A_463 : f32 to vector<16xf32>
          %max3A_465 = arith.maximumf %sub3A_462, %max3A_464 : vector<16xf32>
          %add3A_466 = arith.addf %add3A_447, %max3A_465 : vector<16xf32>
          %sub3A_467 = vector.broadcast %squeeze3A_309 : f32 to vector<16xf32>
          %sub3A_468 = arith.subf %sub3A_467, %get3A_460 : vector<16xf32>
          %max3A_469 = arith.constant 0.000000e+00 : f32
          %max3A_470 = vector.broadcast %max3A_469 : f32 to vector<16xf32>
          %max3A_471 = arith.maximumf %sub3A_468, %max3A_470 : vector<16xf32>
          %add3A_472 = arith.addf %add3A_453, %max3A_471 : vector<16xf32>
          %sub3A_473 = vector.broadcast %squeeze3A_311 : f32 to vector<16xf32>
          %sub3A_474 = arith.subf %sub3A_473, %get3A_460 : vector<16xf32>
          %max3A_475 = arith.constant 0.000000e+00 : f32
          %max3A_476 = vector.broadcast %max3A_475 : f32 to vector<16xf32>
          %max3A_477 = arith.maximumf %sub3A_474, %max3A_476 : vector<16xf32>
          %add3A_478 = arith.addf %add3A_466, %max3A_477 : vector<16xf32>
          %sub3A_479 = vector.broadcast %squeeze3A_313 : f32 to vector<16xf32>
          %sub3A_480 = arith.subf %sub3A_479, %get3A_460 : vector<16xf32>
          %max3A_481 = arith.constant 0.000000e+00 : f32
          %max3A_482 = vector.broadcast %max3A_481 : f32 to vector<16xf32>
          %max3A_483 = arith.maximumf %sub3A_480, %max3A_482 : vector<16xf32>
          %add3A_484 = arith.addf %add3A_472, %max3A_483 : vector<16xf32>
          %sub3A_485 = vector.broadcast %squeeze3A_315 : f32 to vector<16xf32>
          %sub3A_486 = arith.subf %sub3A_485, %get3A_460 : vector<16xf32>
          %max3A_487 = arith.constant 0.000000e+00 : f32
          %max3A_488 = vector.broadcast %max3A_487 : f32 to vector<16xf32>
          %max3A_489 = arith.maximumf %sub3A_486, %max3A_488 : vector<16xf32>
          %add3A_490 = arith.addf %add3A_478, %max3A_489 : vector<16xf32>
          %sub3A_491 = vector.broadcast %squeeze3A_317 : f32 to vector<16xf32>
          %sub3A_492 = arith.subf %sub3A_491, %get3A_460 : vector<16xf32>
          %max3A_493 = arith.constant 0.000000e+00 : f32
          %max3A_494 = vector.broadcast %max3A_493 : f32 to vector<16xf32>
          %max3A_495 = arith.maximumf %sub3A_492, %max3A_494 : vector<16xf32>
          %add3A_496 = arith.addf %add3A_484, %max3A_495 : vector<16xf32>
          %sub3A_497 = vector.broadcast %squeeze3A_319 : f32 to vector<16xf32>
          %sub3A_498 = arith.subf %sub3A_497, %get3A_460 : vector<16xf32>
          %max3A_499 = arith.constant 0.000000e+00 : f32
          %max3A_500 = vector.broadcast %max3A_499 : f32 to vector<16xf32>
          %max3A_501 = arith.maximumf %sub3A_498, %max3A_500 : vector<16xf32>
          %add3A_502 = arith.addf %add3A_490, %max3A_501 : vector<16xf32>
          %sub3A_503 = vector.broadcast %squeeze3A_321 : f32 to vector<16xf32>
          %sub3A_504 = arith.subf %sub3A_503, %get3A_460 : vector<16xf32>
          %max3A_505 = arith.constant 0.000000e+00 : f32
          %max3A_506 = vector.broadcast %max3A_505 : f32 to vector<16xf32>
          %max3A_507 = arith.maximumf %sub3A_504, %max3A_506 : vector<16xf32>
          %add3A_508 = arith.addf %add3A_496, %max3A_507 : vector<16xf32>
          %sub3A_509 = vector.broadcast %squeeze3A_323 : f32 to vector<16xf32>
          %sub3A_510 = arith.subf %sub3A_509, %get3A_460 : vector<16xf32>
          %max3A_511 = arith.constant 0.000000e+00 : f32
          %max3A_512 = vector.broadcast %max3A_511 : f32 to vector<16xf32>
          %max3A_513 = arith.maximumf %sub3A_510, %max3A_512 : vector<16xf32>
          %add3A_514 = arith.addf %add3A_502, %max3A_513 : vector<16xf32>
          %sub3A_515 = vector.broadcast %squeeze3A_325 : f32 to vector<16xf32>
          %sub3A_516 = arith.subf %sub3A_515, %get3A_460 : vector<16xf32>
          %max3A_517 = arith.constant 0.000000e+00 : f32
          %max3A_518 = vector.broadcast %max3A_517 : f32 to vector<16xf32>
          %max3A_519 = arith.maximumf %sub3A_516, %max3A_518 : vector<16xf32>
          %add3A_520 = arith.addf %add3A_508, %max3A_519 : vector<16xf32>
          %sub3A_521 = vector.broadcast %squeeze3A_327 : f32 to vector<16xf32>
          %sub3A_522 = arith.subf %sub3A_521, %get3A_460 : vector<16xf32>
          %max3A_523 = arith.constant 0.000000e+00 : f32
          %max3A_524 = vector.broadcast %max3A_523 : f32 to vector<16xf32>
          %max3A_525 = arith.maximumf %sub3A_522, %max3A_524 : vector<16xf32>
          %add3A_526 = arith.addf %add3A_514, %max3A_525 : vector<16xf32>
          %sub3A_527 = vector.broadcast %squeeze3A_329 : f32 to vector<16xf32>
          %sub3A_528 = arith.subf %sub3A_527, %get3A_460 : vector<16xf32>
          %max3A_529 = arith.constant 0.000000e+00 : f32
          %max3A_530 = vector.broadcast %max3A_529 : f32 to vector<16xf32>
          %max3A_531 = arith.maximumf %sub3A_528, %max3A_530 : vector<16xf32>
          %add3A_532 = arith.addf %add3A_520, %max3A_531 : vector<16xf32>
          %sub3A_533 = vector.broadcast %squeeze3A_331 : f32 to vector<16xf32>
          %sub3A_534 = arith.subf %sub3A_533, %get3A_460 : vector<16xf32>
          %max3A_535 = arith.constant 0.000000e+00 : f32
          %max3A_536 = vector.broadcast %max3A_535 : f32 to vector<16xf32>
          %max3A_537 = arith.maximumf %sub3A_534, %max3A_536 : vector<16xf32>
          %add3A_538 = arith.addf %add3A_526, %max3A_537 : vector<16xf32>
          %sub3A_539 = vector.broadcast %squeeze3A_333 : f32 to vector<16xf32>
          %sub3A_540 = arith.subf %sub3A_539, %get3A_460 : vector<16xf32>
          %max3A_541 = arith.constant 0.000000e+00 : f32
          %max3A_542 = vector.broadcast %max3A_541 : f32 to vector<16xf32>
          %max3A_543 = arith.maximumf %sub3A_540, %max3A_542 : vector<16xf32>
          %add3A_544 = arith.addf %add3A_532, %max3A_543 : vector<16xf32>
          %sub3A_545 = vector.broadcast %squeeze3A_335 : f32 to vector<16xf32>
          %sub3A_546 = arith.subf %sub3A_545, %get3A_460 : vector<16xf32>
          %max3A_547 = arith.constant 0.000000e+00 : f32
          %max3A_548 = vector.broadcast %max3A_547 : f32 to vector<16xf32>
          %max3A_549 = arith.maximumf %sub3A_546, %max3A_548 : vector<16xf32>
          %add3A_550 = arith.addf %add3A_538, %max3A_549 : vector<16xf32>
          %sub3A_551 = vector.broadcast %squeeze3A_337 : f32 to vector<16xf32>
          %sub3A_552 = arith.subf %sub3A_551, %get3A_460 : vector<16xf32>
          %max3A_553 = arith.constant 0.000000e+00 : f32
          %max3A_554 = vector.broadcast %max3A_553 : f32 to vector<16xf32>
          %max3A_555 = arith.maximumf %sub3A_552, %max3A_554 : vector<16xf32>
          %add3A_556 = arith.addf %add3A_544, %max3A_555 : vector<16xf32>
          scf.yield %add3A_550, %add3A_556 : vector<16xf32>, vector<16xf32>
        }
        scf.yield %while3A_348#0, %while3A_348#1 : vector<16xf32>, vector<16xf32>
      }
      scf.yield %while3A_299#0, %while3A_299#1, %sub3A, %add3A_235, %add3A_236 : vector<16xf32>, vector<16xf32>, f32, f32, f32
    }
    %scan3A_184 = arith.constant 4 : i32
    %add3A_185 = arith.addf %scan3A_183#0, %scan3A_183#1 : vector<16xf32>
    %reduce_sum3A_186 = arith.constant true
    %reduce_sum3A_187 = vector.broadcast %reduce_sum3A_186 : i1 to vector<16xi1>
    %reduce_sum3A_188 = tpu.scan <sum>, %add3A_185 masked %reduce_sum3A_187 : vector<16xf32>, vector<16xi1> -> vector<16xf32>
    %reduce_sum3A_189 = vector.extract %reduce_sum3A_188[15] : f32 from vector<16xf32>
    %add3A_190 = arith.addf %reduce_sum3A_189, %scan3A_183#2 : f32
    %add3A_191 = arith.addi %scan3A_72#0, %scan3A_72#1 : i32
    %add3A_192 = arith.addi %add3A_191, %scan3A_72#2 : i32
    %add3A_193 = arith.addi %add3A_192, %scan3A_72#3 : i32
    %convert_element_type3A = arith.sitofp %add3A_193 : i32 to f32
    %mul3A_194 = arith.mulf %convert_element_type3A, %scan3A_183#3 : f32
    %broadcast_in_dim3A_195 = arith.constant 6.250000e-02 : f32
    %broadcast_in_dim3A_196 = vector.broadcast %broadcast_in_dim3A_195 : f32 to vector<16xf32>
    %mul3A_197 = vector.broadcast %add3A_190 : f32 to vector<16xf32>
    %mul3A_198 = arith.mulf %broadcast_in_dim3A_196, %mul3A_197 : vector<16xf32>
    %swap3A_199 = arith.constant 0 : index
    %swap3A_200 = tpu.vector_load %arg11[%swap3A_199] {strides = array<i32>} : memref<16xf32, #tpu.memory_space<vmem>>, vector<16xf32>,
    tpu.vector_store %arg11[%swap3A_199], %mul3A_198 {strides = array<i32>} : memref<16xf32, #tpu.memory_space<vmem>>, vector<16xf32>,
    %broadcast_in_dim3A_201 = arith.constant 6.250000e-02 : f32
    %broadcast_in_dim3A_202 = vector.broadcast %broadcast_in_dim3A_201 : f32 to vector<16xf32>
    %mul3A_203 = vector.broadcast %mul3A_194 : f32 to vector<16xf32>
    %mul3A_204 = arith.mulf %broadcast_in_dim3A_202, %mul3A_203 : vector<16xf32>
    %swap3A_205 = arith.constant 0 : index
    %swap3A_206 = tpu.vector_load %arg12[%swap3A_205] {strides = array<i32>} : memref<16xf32, #tpu.memory_space<vmem>>, vector<16xf32>,
    tpu.vector_store %arg12[%swap3A_205], %mul3A_204 {strides = array<i32>} : memref<16xf32, #tpu.memory_space<vmem>>, vector<16xf32>,
    %mul3A_207 = arith.constant 16 : i32
    %mul3A_208 = arith.muli %add3A, %mul3A_207 : i32
    "tpu.region"() ({
      %run_scoped3A = tpu.sem_alloc : memref<!tpu.dma_semaphore, #tpu.memory_space<semaphore_mem>>
      %dma_start3A_213 = tpu.memref_slice %arg5[%mul3A_208] : memref<1024xf32, #tpu.memory_space<hbm>> -> memref<16xf32, #tpu.memory_space<hbm>>
      %dma_start3A_214 = tpu.memref_slice %arg5[%mul3A_208] : memref<1024xf32, #tpu.memory_space<hbm>> -> memref<16xf32, #tpu.memory_space<hbm>>
      tpu.enqueue_dma source(%arg11 : memref<16xf32, #tpu.memory_space<vmem>>) target(%dma_start3A_214 : memref<16xf32, #tpu.memory_space<hbm>>) target_semaphore(%run_scoped3A : memref<!tpu.dma_semaphore, #tpu.memory_space<semaphore_mem>>)
      %dma_wait3A_215 = tpu.memref_slice %arg5[%mul3A_208] : memref<1024xf32, #tpu.memory_space<hbm>> -> memref<16xf32, #tpu.memory_space<hbm>>
      %dma_wait3A_216 = tpu.memref_slice %arg5[%mul3A_208] : memref<1024xf32, #tpu.memory_space<hbm>> -> memref<16xf32, #tpu.memory_space<hbm>>
      tpu.wait_dma2 semaphore(%run_scoped3A : memref<!tpu.dma_semaphore, #tpu.memory_space<semaphore_mem>>) src(%arg11 : memref<16xf32, #tpu.memory_space<vmem>>) dst(%dma_wait3A_216 : memref<16xf32, #tpu.memory_space<hbm>>)
      tpu.yield
    }) : () -> ()
    %mul3A_209 = arith.constant 16 : i32
    %mul3A_210 = arith.muli %add3A, %mul3A_209 : i32
    %add3A_211 = arith.constant 512 : i32
    %add3A_212 = arith.addi %add3A_211, %mul3A_210 : i32
    "tpu.region"() ({
      %run_scoped3A = tpu.sem_alloc : memref<!tpu.dma_semaphore, #tpu.memory_space<semaphore_mem>>
      %dma_start3A_213 = tpu.memref_slice %arg5[%add3A_212] : memref<1024xf32, #tpu.memory_space<hbm>> -> memref<16xf32, #tpu.memory_space<hbm>>
      %dma_start3A_214 = tpu.memref_slice %arg5[%add3A_212] : memref<1024xf32, #tpu.memory_space<hbm>> -> memref<16xf32, #tpu.memory_space<hbm>>
      tpu.enqueue_dma source(%arg12 : memref<16xf32, #tpu.memory_space<vmem>>) target(%dma_start3A_214 : memref<16xf32, #tpu.memory_space<hbm>>) target_semaphore(%run_scoped3A : memref<!tpu.dma_semaphore, #tpu.memory_space<semaphore_mem>>)
      %dma_wait3A_215 = tpu.memref_slice %arg5[%add3A_212] : memref<1024xf32, #tpu.memory_space<hbm>> -> memref<16xf32, #tpu.memory_space<hbm>>
      %dma_wait3A_216 = tpu.memref_slice %arg5[%add3A_212] : memref<1024xf32, #tpu.memory_space<hbm>> -> memref<16xf32, #tpu.memory_space<hbm>>
      tpu.wait_dma2 semaphore(%run_scoped3A : memref<!tpu.dma_semaphore, #tpu.memory_space<semaphore_mem>>) src(%arg12 : memref<16xf32, #tpu.memory_space<vmem>>) dst(%dma_wait3A_216 : memref<16xf32, #tpu.memory_space<hbm>>)
      tpu.yield
    }) : () -> ()
    return
  }
}

</mosaic_0001>

<sc_bundles>
// kernel: kernel.3.cloned.1.call-start
scs
__scs_entry_jumppad:
0x0: {  	(pc) =	sbr.rel $0x88, $3  }
0x1: {  	(tag) =	ssettag $0x0;
	lr =	simm.s32 $0x1  }
0x2: {  	[smem:$0x3F9E] =	sst lr;
	_ =	strace $0xD0000000  }
0x3: {  	_ = 	snop  }
0x4: {  	_ = 	snop  }
0x5: {  	_ = 	snop  }
0x6: {  	_ = 	snop  }
0x7: {  	_ = 	snop  }
__scs_overlays_trampoline_lowered:
0x8: {  	[smem:$0x3FAD] =	sst s0  }
0x9: {  	[smem:$0x3FAE] =	sst s1  }
0xa: {  	[smem:$0x3FAF] =	sst s2  }
0xb: {  	[smem:$0x3FB0] =	sst s3  }
0xc: {  	[smem:$0x3FB1] =	sst s4  }
0xd: {  	[smem:$0x3FB2] =	sst s5  }
0xe: {  	[smem:$0x3FB3] =	sst s6  }
0xf: {  	[smem:$0x3FB4] =	sst s7  }
0x10: {  	[smem:$0x3FB5] =	sst s8  }
0x11: {  	[smem:$0x3FB6] =	sst s9;
	s0 =	simm.s32 @!p0 $0x0  }
0x12: {  	s1 =	sld [smem:$0x3F9C];
	s0 =	simm.s32 @p0 $0x1  }
0x13: {  	[smem:$0x3FB7] =	sst s0;
	s0 =	simm.s32 @!p1 $0x0  }
0x14: {  	s2 =	sld [smem:$0x3F9B];
	s0 =	simm.s32 @p1 $0x1  }
0x15: {  	[smem:$0x3FB8] =	sst s0;
	s0 =	simm.s32 @!p2 $0x0  }
0x16: {  	s3 =	sld [smem:$0x3FDB];
	s0 =	simm.s32 @p2 $0x1  }
0x17: {  	s4 =	simm.s32 $0x1BF5;
	[smem:$0x3FBA] =	sst s0  }
0x18: {  	s0 =	sld [smem:$0x3F9D];
	_ =	swait.ge [sflag:s4], $0x0  }
0x19: {  	s7 =	sld [smem:$0x3F9E]  }
0x1a: {  	s8 =	sadd.s32 $0xFFFFE003, lr  }
0x1b: {  	s9 =	sadd.s32 $0xFFFFFEF7, lr;
	s5 =	simm.s32 $0xFFFFFFFF;
	p2 =	slt.u32 s8, $0xFFFFF086  }
0x1c: {  	p1 =	slt.u32 s9, $0xF7A;
	s5 =	simm.s32 @!p2 $0x0  }
0x1d: {  	s5 =	simm.s32 @p1 $0x1;
	p0 =	seq.s32 s7, s2  }
0x1e: {  	s7 =	smul.u32 @!p0 $0xF7A, s2;
	p2 =	seq.s32 @!p0 s5, $0x0  }
0x1f: {  	s9 =	smul.u32 $0xF7A, s1;
	s8 =	simm.s32 @!p0 $0x1BF5;
	p2 =	por !p2, p0  }
0x20: {  	[sflag:s8] =	ssyncset.s32 @!p0 $0xFFFFF086;
	s6 =	sadd.s32 @!p0 s3, s7;
	s7 =	simm.s32 @!p0 $0x108  }
0x21: {  	s3 =	sadd.s32 s3, s9;
	s6 =	sadd.s32 @!p0 $0x88, s6;
	s7 =	simm.s32 @p2 $0x1082  }
0x22: {  	[simem:s7], [sflag:s8] =	dma.local @!p0 [hbm:s6], $0xF7A  }
0x23: {  	s9 =	sor.u32 $0xD0000000, s2;
	s6 =	simm.s32 $0x108;
	_ =	swait.ge @!p0 [sflag:s8], $0x0  }
0x24: {  	s3 =	sadd.s32 $0x88, s3;
	s6 =	simm.s32 @!p1 $0x1082;
	[sflag:s4] =	ssyncset.s32 $0xFFFFF086  }
0x25: {  	[simem:s6], [sflag:s4] =	dma.local [hbm:s3], $0xF7A  }
0x26: {  	[smem:$0x3F9E] =	sst s1;
	(tag) =	ssettag s2;
	_ =	strace s9  }
0x27: {  	s1 =	sld [smem:$0x3FAE]  }
0x28: {  	s2 =	sld [smem:$0x3FAF]  }
0x29: {  	s4 =	sld [smem:$0x3FB1]  }
0x2a: {  	p0 =	seq.s32 s5, $0x0;
	s5 =	sld [smem:$0x3FB2]  }
0x2b: {  	s6 =	sld [smem:$0x3FB3]  }
0x2c: {  	s7 =	sld [smem:$0x3FB4]  }
0x2d: {  	s3 =	simm.s32 $0x108;
	s8 =	sld [smem:$0x3FB5]  }
0x2e: {  	s3 =	simm.s32 @!p0 $0x1082;
	s9 =	sld [smem:$0x3FB6]  }
0x2f: {  	lr =	sadd.s32 s0, s3;
	s0 =	sld [smem:$0x3FAD]  }
0x30: {  	s3 =	sld [smem:$0x3FB0]  }
0x31: {  	[smem:$0x3FB9] =	sst s10  }
0x32: {  	s10 =	sld [smem:$0x3FB7];
	_ =	sdelay $0x3  }
0x33: {  	p0 =	seq.s32 s10, $0x1;
	s10 =	sld [smem:$0x3FB9];
	_ =	sdelay $0x3  }
0x34: {  	[smem:$0x3FB9] =	sst s10  }
0x35: {  	s10 =	sld [smem:$0x3FB8];
	_ =	sdelay $0x3  }
0x36: {  	p1 =	seq.s32 s10, $0x1;
	s10 =	sld [smem:$0x3FB9];
	_ =	sdelay $0x3  }
0x37: {  	[smem:$0x3FB9] =	sst s10  }
0x38: {  	s10 =	sld [smem:$0x3FBA]  }
0x39: {  	_ = 	snop;
	(pc) =	sbr.ind lr, $3  }
0x3a: {  	_ = 	snop  }
0x3b: {  	_ = 	snop  }
0x3c: {  	p2 =	seq.s32 s10, $0x1;
	s10 =	sld [smem:$0x3FB9]  }
0x3d: {  	_ =	shalt  }
0x3e: {  	_ =	shalt  }
0x3f: {  	_ =	shalt  }
0x40: {  	_ =	shalt  }
0x41: {  	_ =	shalt  }
0x42: {  	_ =	shalt  }
0x43: {  	_ =	shalt  }
0x44: {  	_ =	shalt  }
0x45: {  	_ =	shalt  }
0x46: {  	_ =	shalt  }
0x47: {  	_ =	shalt  }
0x48: {  	_ =	shalt  }
0x49: {  	_ =	shalt  }
0x4a: {  	_ =	shalt  }
0x4b: {  	_ =	shalt  }
0x4c: {  	_ =	shalt  }
0x4d: {  	_ =	shalt  }
0x4e: {  	_ =	shalt  }
0x4f: {  	_ =	shalt  }
0x50: {  	_ =	shalt  }
0x51: {  	_ =	shalt  }
0x52: {  	_ =	shalt  }
0x53: {  	_ =	shalt  }
0x54: {  	_ =	shalt  }
0x55: {  	_ =	shalt  }
0x56: {  	_ =	shalt  }
0x57: {  	_ =	shalt  }
0x58: {  	_ =	shalt  }
0x59: {  	_ =	shalt  }
0x5a: {  	_ =	shalt  }
0x5b: {  	_ =	shalt  }
0x5c: {  	_ =	shalt  }
0x5d: {  	_ =	shalt  }
0x5e: {  	_ =	shalt  }
0x5f: {  	_ =	shalt  }
0x60: {  	_ =	shalt  }
0x61: {  	_ =	shalt  }
0x62: {  	_ =	shalt  }
0x63: {  	_ =	shalt  }
0x64: {  	_ =	shalt  }
0x65: {  	_ =	shalt  }
0x66: {  	_ =	shalt  }
0x67: {  	_ =	shalt  }
0x68: {  	_ =	shalt  }
0x69: {  	_ =	shalt  }
0x6a: {  	_ =	shalt  }
0x6b: {  	_ =	shalt  }
0x6c: {  	_ =	shalt  }
0x6d: {  	_ =	shalt  }
0x6e: {  	_ =	shalt  }
0x6f: {  	_ =	shalt  }
0x70: {  	_ =	shalt  }
0x71: {  	_ =	shalt  }
0x72: {  	_ =	shalt  }
0x73: {  	_ =	shalt  }
0x74: {  	_ =	shalt  }
0x75: {  	_ =	shalt  }
0x76: {  	_ =	shalt  }
0x77: {  	_ =	shalt  }
0x78: {  	_ =	shalt  }
0x79: {  	_ =	shalt  }
0x7a: {  	_ =	shalt  }
0x7b: {  	_ =	shalt  }
0x7c: {  	_ =	shalt  }
0x7d: {  	_ =	shalt  }
0x7e: {  	_ =	shalt  }
0x7f: {  	_ =	shalt  }
0x80: {  	_ =	shalt  }
0x81: {  	_ =	shalt  }
0x82: {  	_ =	shalt  }
0x83: {  	_ =	shalt  }
0x84: {  	_ =	shalt  }
0x85: {  	_ =	shalt  }
0x86: {  	_ =	shalt  }
0x87: {  	_ =	shalt  }
.Lfunc_end0:
.L_simem_size_0:
called_computation_lowered:
.L_overlay_start_0:
0x88: {  	s2 =	sld [smem:$0x3FD9]  }
0x89: {  	s3 =	sld [smem:$0x3FFE];
	_ =	sdelay $0x1  }
0x8a: {  	s1 =	srdreg.scid  }
0x8b: {  	s0 =	sand.u32 $0x1, s1  }
0x8c: {  	s17 =	sshll.u32 s0, $0xA;
	s2 =	sadd.s32 s3, s2  }
0x8d: {  	s2 =	sadd.s32 s2, s17  }
0x8e: {  	[smem:$0x3FC5] =	sst s2  }
0x8f: {  	_ = 	snop  }
0x90: {  	s2 =	sld [smem:$0x3FC9]  }
0x91: {  	s18 =	sld [smem:$0x3FC8];
	(tm) =	ssettm $0x1  }
0x92: {  	s4 =	sld [smem:$0x3FFB];
	_ =	sdelay $0x3  }
0x93: {  	_ =	strace s4  }
0x94: {  	s4 =	sld [smem:$0x3FFC];
	_ =	sdelay $0x3  }
0x95: {  	_ =	strace s4  }
0x96: {  	s4 =	sld [smem:$0x3FFD];
	_ =	sdelay $0x3  }
0x97: {  	_ =	strace s4  }
0x98: {  	_ =	strace $0x8FFFFFFF  }
0x99: {  	s19 =	sld [smem:$0x3FDB];
	_ =	sdelay $0x1  }
0x9a: {  	s5 =	simm.s32 $_scs_section_size  }
0x9b: {  	s6 =	simm.s32 $_size__tile_overlayer_lowered;
	s7 =	simm.s32 $_tile_overlayer_lowered  }
0x9c: {  	s22 =	simm.s32 $0x1BFF;
	s21 =	sshll.u32 s7, $0x1;
	s4 =	sadd.s32 s5, s19  }
0x9d: {  	s8 =	simm.s32 $0x0;
	s20 =	sshll.u32 s6, $0x1;
	s6 =	sadd.s32 s21, s4  }
0x9e: {  	[timem:s8], [sflag:s22] =	dma.local [hbm:s6], s20  }
0x9f: {  	_ =	swait.ge [sflag:s22], s20  }
0xa0: {  	s5 =	ssub.s32 $0x0, s20;
	[sflag:s22] =	ssyncset.done $0x0  }
0xa1: {  	[sflag:s22] =	ssyncadd.s32 s5;
	_ =	sdelay $0x1  }
0xa2: {  	s23 =	simm.s32 $0x1B8B  }
0xa3: {  	_ =	swait.ge [sflag:s23], $0x1  }
0xa4: {  	[sflag:s23] =	ssyncset.done $0x0  }
0xa5: {  	s25 =	simm.s32 $0x1B8E;
	s24 =	sld [smem:$0x3FFE];
	[sflag:s23] =	ssyncadd.s32 $0xFFFFFFFF  }
0xa6: {  	s26 =	simm.s32 $execute0_lowered;
	[smem:$0x3FD2] =	sst s25  }
0xa7: {  	s6 =	sshll.u32 s26, $0x1;
	_ =	strace $0x80000046;
	[dreg:$0x1] =	wrdreg $0xFFFFFFFF  }
0xa8: {  	s28 =	simm.s32 $_size_execute0_lowered;
	s4 =	sadd.s32 s4, s6;
	[dreg:$0x0] =	wrdreg $0x0  }
0xa9: {  	s6 =	sshll.u32 s28, $0x1;
	[dreg:$0x2] =	wrdreg s4  }
0xaa: {  	[dreg:$0x3] =	wrdreg s6  }
0xab: {  	[dreg:$0x4] =	wrdreg $0xC0  }
0xac: {  	_ =	task [dreg:s8], $0x5FFFF  }
0xad: {  	[dreg:$0x1] =	wrdreg $0xFFFFFFFF  }
0xae: {  	[dreg:$0x0] =	wrdreg $0x60  }
0xaf: {  	[dreg:$0x2] =	wrdreg s2  }
0xb0: {  	[dreg:$0x3] =	wrdreg s24  }
0xb1: {  	[dreg:$0x4] =	wrdreg s18  }
0xb2: {  	[dreg:$0x5] =	wrdreg $0x9  }
0xb3: {  	_ =	task.clear_ibuf [dreg:s8], $0x6FFFF;
	_ =	strace $0x90000046  }
0xb4: {  	s29 =	simm.s32 $0x9;
	_ =	strace $0x80000048  }
0xb5: {  	_ =	swait.ge [sflag:s29], $0x1  }
0xb6: {  	[sflag:s29] =	ssyncadd.s32 $0xFFFFFFFF  }
0xb7: {  	_ =	strace $0x90000048  }
0xb8: {  	_ =	sfence  }
0xb9: {  	s30 =	sld [smem:$0x0];
	_ =	sdelay $0x2  }
0xba: {  	s31 =	sshll.u32 s1, $0xD;
	s1 =	sshrl.u32 s1, $0x2  }
0xbb: {  	s3 =	sand.u32 $0x4000, s31;
	s1 =	sadd.s32 s1, s30  }
0xbc: {  	s0 =	sor.u32 s3, s0;
	s1 =	sshll.u32 s1, $0x11  }
0xbd: {  	s0 =	sor.u32 s1, s0  }
0xbe: {  	s0 =	sadd.s32 $0x8F2B, s0  }
0xbf: {  	[sflag:s0] =	ssyncadd.remote.s32 $0x1  }
0xc0: {  	_ =	sfence.sel $0xFFFF  }
0xc1: {  	[dreg:$0x0] =	wrdreg $0xFFFFFFFF;
	(pc) =	sbr.abs _section_cstart, $3  }
0xc2: {  	[dreg:$0x1] =	wrdreg $0xFFFFFFFF  }
0xc3: {  	_ =	task.clear_ibuf [dreg:s8], $0x2FFFF;
	_ =	strace $0x9FFFFFFF  }
0xc4: {  	(tm) =	ssettm $0x7FFFFFFF  }
0xc5: {  	_ =	shalt  }
tec
execute0_lowered:
.L_overlay_start_1:
0x0: {  	(tag) =	ssettag $0x1  }
0x1: {  	s0 =	rddreg [dreg:$0x0]  }
0x2: {  	s1 =	rddreg [dreg:$0x1]  }
0x3: {  	s3 =	rddreg [dreg:$0x2]  }
0x4: {  	s2 =	srdreg.scid;
	s10 =	stileid.u32;
	s12 =	simm.s32 $0x3  }
0x5: {  	s13 =	simm.s32 $0x1;
	s14 =	simm.s32 $0x2;
	s15 =	simm.s32 $0x800  }
0x6: {  	s17 =	simm.s32 $0x4;
	s19 =	simm.s32 $0x0;
	s4 =	sand.u32 $0x1, s2  }
0x7: {  	s2 =	simm.s32 $0x0;
	s5 =	sshll.u32 s10, $0x5;
	s7 =	sshll.u32 s10, $0x4  }
0x8: {  	s31 =	sshll.u32 s10, $0x8;
	s6 =	sshll.u32 s4, $0x4;
	[smem:$0x7FF] =	sst s2  }
0x9: {  	s8 =	ssub.s32 $0x2, s4;
	s9 =	sand.u32 $0x70, s7;
	s4 =	sshll.u32 s4, $0x7  }
0xa: {  	s6 =	sor.u32 s6, s5;
	_ =	strace $0x80000047;
	s5 =	sand.u32 $0x100, s5  }
0xb: {  	s30 =	sshrl.u32 s8, $0x1;
	s4 =	sadd.s32 $0x3180, s4;
	s6 =	sshrl.u32 s6, $0x3  }
.Ltmp0:
0xc: {  	s5 =	sor.u32 s9, s5;
	s7 =	ssub.s32 s8, s30;
	(pc) =	sbr.rel .LBB2_1-.Ltmp0, $4  }
0xd: {  	s8 =	sand.u32 $0x800, s31;
	s6 =	sadd.s32 s6, s1;
	s3 =	sadd.s32 s3, s5  }
0xe: {  	s7 =	smax.u32 s7, $0x1;
	s1 =	sadd.s32 s8, s1;
	s0 =	sadd.s32 s8, s0  }
0xf: {  	s5 =	sadd.s32 $0x80, s3;
	s8 =	sadd.s32 s9, s1;
	s9 =	sadd.s32 s9, s0  }
0x10: {  	v0 =	vimm.f32 $-1.000000020e+30;
	v1 =	vimm.f32 $1.000000020e+30;
	v2 =	vmov s4;
	[dreg:$0x4] =	wrdreg s5;
	s5 =	sadd.s32 $0x1000, s6;
	s6 =	sadd.s32 $0x1040, s6  }
.LBB2_16:
0x11: {  	v3 =	vadd.f32 v22, v18;
	_ =	sdelay $0x1  }
0x12: {  	(xrf2) =	vadd.scan.msk.f32 $0xffff, v3;
	_ =	sdelay $0x9  }
0x13: {  	v3, _, _ =	vpop (xrf2)  }
0x14: {  	(v2sf) =	vpush v3, $0xF;
	_ =	sdelay $0x9  }
0x15: {  	s0 =	sadd.s32 s20, s23  }
0x16: {  	s0 =	sadd.s32 s21, s0  }
0x17: {  	s0 =	sadd.s32 s22, s0  }
0x18: {  	s0 =	scvt.s32.f32 s0;
	_ =	sdelay $0x1  }
0x19: {  	s0 =	smul.f32 s0, s24;
	s1 =	spop (v2sf)  }
0x1a: {  	s1 =	sadd.f32 s1, s25  }
0x1b: {  	v4 =	vmov s0  }
0x1c: {  	v4 =	vmul.f32 $6.250000000e-02, v4;
	v3 =	vmov s1  }
0x1d: {  	v3 =	vmul.f32 $6.250000000e-02, v3  }
0x1e: {  	v4 =	vbroadcast v4, $0x0  }
0x1f: {  	v3 =	vbroadcast v3, $0x0  }
0x20: {  	[tilespmem:$0x3600] =	vst v4  }
0x21: {  	s30 =	simm.s32 $0x3580;
	[tilespmem:$0x3580] =	vst v3  }
0x22: {  	[hbm4b:s5+s2] =	stream.linear.scatter [tilespmem:s30], [sflag:$0x4], $0x10, $0x38;
	[tilespmem:$0x3680] =	vst v63  }
0x23: {  	s19 =	sadd.s32 $0x1, s19;
	_ =	swait.ge [sflag:s17], $0x10  }
0x24: {  	p0 =	sne.s32 s19, s7;
	[sflag:s17] =	ssyncset.done $0x0  }
.Ltmp1:
0x25: {  	s31 =	simm.s32 $0x3600;
	[sflag:s17] =	ssyncadd.s32 $0xFFFFFFF0;
	(pc) =	sbr.rel @!p0 .LBB2_17-.Ltmp1, $4  }
0x26: {  	[hbm4b:s6+s2] =	stream.linear.scatter [tilespmem:s31], [sflag:$0x4], $0x10, $0x38;
	[tilespmem:$0x3680] =	vst v63  }
0x27: {  	_ =	swait.ge [sflag:s17], $0x10  }
0x28: {  	[sflag:s17] =	ssyncset.done $0x0  }
0x29: {  	[sflag:s17] =	ssyncadd.s32 $0xFFFFFFF0  }
.LBB2_1:
0x2a: {  	s0 =	sadd.s32 $0x0, s9;
	s31 =	sadd.s32 $0x0, s8  }
0x2b: {  	[tilespmem:s2], [sflag:$0x1] =	stream.linear.gather [hbm4b:s0+s2], $0x80, $0x38;
	[tilespmem:$0x3680] =	vst v63  }
0x2c: {  	s1 =	simm.s32 $0x80;
	s4 =	simm.s32 $0x800;
	s0 =	simm.s32 $0x80  }
0x2d: {  	[tilespmem:s15], [sflag:$0x2] =	stream.linear.gather [hbm4b:s31+s2], $0x80, $0x38;
	[tilespmem:$0x3680] =	vst v63  }
.LBB2_2:
0x2e: {  	s10 =	sadd.s32 s0, s9  }
0x2f: {  	p0 =	sne.s32 s0, $0x780;
	s11 =	smov.u32 s0;
	s0 =	sadd.s32 $0x80, s0  }
0x30: {  	[tilespmem:s1], [sflag:$0x1] =	stream.linear.gather [hbm4b:s10+s2], $0x80, $0x38;
	[tilespmem:$0x3680] =	vst v63  }
.Ltmp2:
0x31: {  	_ = 	snop;
	(pc) =	sbr.rel @p0 .LBB2_2-.Ltmp2, $4  }
0x32: {  	s4 =	sadd.s32 $0x80, s4;
	s10 =	sadd.s32 s11, s8  }
0x33: {  	[tilespmem:s4], [sflag:$0x2] =	stream.linear.gather [hbm4b:s10+s2], $0x80, $0x38;
	[tilespmem:$0x3680] =	vst v63  }
0x34: {  	_ = 	snop  }
0x35: {  	s1 =	sadd.s32 $0x80, s1  }
0x36: {  	s0 =	simm.s32 $0x0;
	s1 =	simm.s32 $0x3180  }
0x37: {  	[tilespmem:s1], [sflag:$0x3] =	stream.linear.gather [hbm4b:s3+s0], $0x80, $0x38;
	[tilespmem:$0x3680] =	vst v63  }
0x38: {  	s28 =	rddreg [dreg:$0x4];
	s4 =	simm.s32 $0x3200  }
0x39: {  	[tilespmem:s4], [sflag:$0x3] =	stream.linear.gather [hbm4b:s28+s0], $0x80, $0x38;
	[tilespmem:$0x3680] =	vst v63  }
0x3a: {  	_ =	swait.ge [sflag:s12], $0x80  }
0x3b: {  	[sflag:s12] =	ssyncset.done $0x0  }
0x3c: {  	[sflag:s12] =	ssyncadd.s32 $0xFFFFFF80  }
0x3d: {  	_ =	swait.ge [sflag:s12], $0x80  }
0x3e: {  	[sflag:s12] =	ssyncset.done $0x0  }
0x3f: {  	[sflag:s12] =	ssyncadd.s32 $0xFFFFFF80  }
0x40: {  	_ =	swait.ge [sflag:s13], $0x800  }
0x41: {  	[sflag:s13] =	ssyncset.done $0x0  }
0x42: {  	[sflag:s13] =	ssyncadd.s32 $0xFFFFF800  }
0x43: {  	_ =	swait.ge [sflag:s14], $0x800  }
0x44: {  	[sflag:s14] =	ssyncset.done $0x0  }
0x45: {  	s29 =	simm.s32 $0x0;
	[sflag:s14] =	ssyncadd.s32 $0xFFFFF800  }
0x46: {  	v3 =	vld.idx.msk [tilespmem:v2+s29+$0x0 ss:$0x1], $0xffff;
	_ =	sdelay $0x7  }
0x47: {  	v4 =	vld.idx.msk [tilespmem:v3+s2+$0x0], $0xffff;
	_ =	sdelay $0x1  }
0x48: {  	v3 =	vld.idx.msk [tilespmem:v3+s15+$0x0], $0xffff;
	_ =	sdelay $0x2  }
0x49: {  	v5 =	vadd.f32 $9.999999770e-03, v4;
	_ =	sdelay $0x1  }
0x4a: {  	vm1 =	vgt.f32 v3, $0.0e+00;
	vm0 =	vlt.f32 v5, $-6.744999880e-01  }
0x4b: {  	vm2 =	vmneg vm0;
	vm0 =	vmand vm1, vm0  }
0x4c: {  	v3 =	vmpcnt.ones.xlane vm0;
	_ =	sdelay $0x1  }
0x4d: {  	(v2sf) =	vpush v3, $0x0;
	_ =	sdelay $0x7  }
0x4e: {  	vm3 =	vlt.f32 v5, $0.0e+00;
	vm2 =	vmand vm1, vm2  }
0x4f: {  	vm5 =	vmneg vm3;
	vm2 =	vmand vm3, vm2  }
0x50: {  	vm4 =	vlt.f32 v5, $6.744999880e-01;
	vm15 =	vmand vm1, vm5;
	[tilespmem:s0+$0x3280] =	vst.msk vm0, v5;
	v4 =	vmpcnt.ones.xlane vm2  }
0x51: {  	vm3 =	vmand vm4, vm15;
	vm4 =	vmneg vm4;
	[tilespmem:s0+$0x3330] =	vst.msk vm2, v5  }
0x52: {  	vm1 =	vmand vm1, vm4;
	[tilespmem:s0+$0x33E0] =	vst.msk vm3, v5;
	(v2sf) =	vpush v4, $0x0;
	v4 =	vmpcnt.ones.xlane vm3  }
0x53: {  	s30 =	simm.s32 $0x10;
	v7 =	vmpcnt.ones.xlane vm1;
	[tilespmem:s0+$0x3490] =	vst.msk vm1, v5  }
0x54: {  	v8 =	vld.idx.msk [tilespmem:v2+s30+$0x0 ss:$0x1], $0xffff;
	(v2sf) =	vpush v4, $0x0  }
0x55: {  	s31 =	spop (v2sf);
	(v2sf) =	vpush v7, $0x0;
	_ =	sdelay $0x6  }
0x56: {  	v9 =	vld.idx.msk [tilespmem:v8+s2+$0x0], $0xffff;
	_ =	sdelay $0x1  }
0x57: {  	v6 =	vimm.f32 $0.0e+00;
	v3 =	vnsel vm1, $0x0, v5  }
0x58: {  	v11 =	vnsel vm0, $0x0, v5;
	v10 =	vnsel vm3, $0x0, v5;
	v3 =	vadd.f32 v3, v6  }
0x59: {  	s11 =	simm.s32 $0x80;
	s10 =	simm.s32 $0x0;
	v4 =	vadd.f32 v10, v6;
	v10 =	vnsel vm2, $0x0, v5;
	v5 =	vadd.f32 v11, v6;
	v8 =	vld.idx.msk [tilespmem:v8+s15+$0x0], $0xffff  }
0x5a: {  	s4 =	simm.s32 $0x0;
	v7 =	vadd.f32 v10, v6;
	s1 =	sadd.s32 $0x0, s31;
	v6 =	vadd.f32 $9.999999770e-03, v9;
	s16 =	spop (v2sf)  }
.LBB2_4:
0x5b: {  	p0 =	seq.s32 s11, $0x1C0  }
0x5c: {  	s18 =	spop (v2sf);
	s20 =	smov.u32 s11;
	s11 =	sadd.s32 $0x40, s11  }
0x5d: {  	vm0 =	vlt.f32 v6, $-6.744999880e-01;
	vm1 =	vlt.f32 v6, $0.0e+00;
	vm2 =	vlt.f32 v6, $6.744999880e-01;
	s0 =	sadd.s32 s0, s18;
	s18 =	spop (v2sf)  }
0x5e: {  	vm3 =	vgt.f32 v8, $0.0e+00;
	s10 =	sadd.s32 s10, s16;
	vm4 =	vmneg vm0;
	vm5 =	vmneg vm1;
	s4 =	sadd.s32 s4, s18  }
0x5f: {  	vm0 =	vmand vm3, vm0;
	vm4 =	vmand vm3, vm4;
	vm5 =	vmand vm3, vm5  }
0x60: {  	v8 =	vmpcnt.ones.xlane vm0;
	vm1 =	vmand vm1, vm4;
	vm4 =	vmand vm2, vm5;
	[tilespmem:s1+$0x3280] =	vst.msk vm0, v6  }
0x61: {  	vm2 =	vmneg vm2;
	[tilespmem:s10+$0x3330] =	vst.msk vm1, v6;
	v9 =	vmpcnt.ones.xlane vm1;
	v10 =	vmpcnt.ones.xlane vm4  }
0x62: {  	vm2 =	vmand vm3, vm2;
	v11 =	vnsel vm1, $0x0, v6;
	[tilespmem:s0+$0x33E0] =	vst.msk vm4, v6;
	(v2sf) =	vpush v8, $0x0  }
0x63: {  	s16 =	sshra.s32 s20, $0x2;
	v8 =	vmpcnt.ones.xlane vm2;
	v12 =	vnsel vm2, $0x0, v6;
	[tilespmem:s4+$0x3490] =	vst.msk vm2, v6;
	(v2sf) =	vpush v9, $0x0  }
0x64: {  	v13 =	vnsel vm4, $0x0, v6;
	v3 =	vadd.f32 v12, v3;
	v9 =	vld.idx.msk [tilespmem:v2+s16+$0x0 ss:$0x1], $0xffff;
	(v2sf) =	vpush v10, $0x0  }
0x65: {  	v4 =	vadd.f32 v13, v4;
	v6 =	vnsel vm0, $0x0, v6;
	(v2sf) =	vpush v8, $0x0  }
0x66: {  	v7 =	vadd.f32 v11, v7;
	v5 =	vadd.f32 v6, v5;
	_ =	sdelay $0x5  }
0x67: {  	v6 =	vld.idx.msk [tilespmem:v9+s2+$0x0], $0xffff;
	_ =	sdelay $0x1  }
.Ltmp3:
0x68: {  	v8 =	vld.idx.msk [tilespmem:v9+s15+$0x0], $0xffff;
	(pc) =	sbr.rel @!p0 .LBB2_4-.Ltmp3, $3  }
0x69: {  	_ =	sdelay $0x1  }
0x6a: {  	s16 =	spop (v2sf)  }
0x6b: {  	v6 =	vadd.f32 $9.999999770e-03, v6;
	s1 =	sadd.s32 s1, s16;
	s16 =	spop (v2sf)  }
0x6c: {  	_ = 	snop  }
0x6d: {  	vm3 =	vgt.f32 v8, $0.0e+00;
	vm0 =	vlt.f32 v6, $-6.744999880e-01  }
0x6e: {  	vm1 =	vlt.f32 v6, $0.0e+00;
	vm2 =	vlt.f32 v6, $6.744999880e-01;
	vm4 =	vmneg vm0  }
0x6f: {  	vm5 =	vmneg vm1;
	vm0 =	vmand vm3, vm0;
	vm4 =	vmand vm3, vm4  }
0x70: {  	vm5 =	vmand vm3, vm5;
	v8 =	vmpcnt.ones.xlane vm0;
	vm1 =	vmand vm1, vm4  }
0x71: {  	vm9 =	vmand vm2, vm5;
	vm2 =	vmneg vm2;
	v9 =	vmpcnt.ones.xlane vm1  }
0x72: {  	s11 =	spop (v2sf);
	s10 =	sadd.s32 s10, s16;
	[tilespmem:s1+$0x3280] =	vst.msk vm0, v6;
	v10 =	vmpcnt.ones.xlane vm9;
	vm2 =	vmand vm3, vm2;
	(v2sf) =	vpush v8, $0x0  }
0x73: {  	s18 =	spop (v2sf);
	s0 =	sadd.s32 s0, s11;
	[tilespmem:s10+$0x3330] =	vst.msk vm1, v6;
	v8 =	vmpcnt.ones.xlane vm2;
	(v2sf) =	vpush v9, $0x0;
	v9 =	vnsel vm2, $0x0, v6  }
0x74: {  	s4 =	sadd.s32 s4, s18;
	[tilespmem:s0+$0x33E0] =	vst.msk vm9, v6;
	(v2sf) =	vpush v10, $0x0;
	v3 =	vadd.f32 v9, v3  }
0x75: {  	[tilespmem:s4+$0x3490] =	vst.msk vm2, v6;
	v9 =	vnsel vm0, $0x0, v6;
	(v2sf) =	vpush v8, $0x0;
	v8 =	vnsel vm1, $0x0, v6  }
0x76: {  	v10 =	vnsel vm9, $0x0, v6;
	v6 =	vadd.f32 v9, v5;
	v5 =	vadd.f32 v8, v7;
	v8 =	vld [tilespmem:$0x3180];
	_ =	sdelay $0x6  }
0x77: {  	v7 =	vimm.f32 $0.0e+00  }
0x78: {  	[tilespmem:v8+s15+$0x0] =	vst.idx.msk $0xffff, v7  }
0x79: {  	v8 =	vld [tilespmem:$0x3190];
	_ =	sdelay $0x7  }
0x7a: {  	[tilespmem:v8+s15+$0x0] =	vst.idx.msk $0xffff, v7  }
0x7b: {  	v8 =	vld [tilespmem:$0x31A0];
	_ =	sdelay $0x7  }
0x7c: {  	[tilespmem:v8+s15+$0x0] =	vst.idx.msk $0xffff, v7  }
0x7d: {  	v8 =	vld [tilespmem:$0x31B0];
	_ =	sdelay $0x7  }
0x7e: {  	[tilespmem:v8+s15+$0x0] =	vst.idx.msk $0xffff, v7  }
0x7f: {  	v8 =	vld [tilespmem:$0x31C0];
	_ =	sdelay $0x7  }
0x80: {  	[tilespmem:v8+s15+$0x0] =	vst.idx.msk $0xffff, v7  }
0x81: {  	v8 =	vld [tilespmem:$0x31D0];
	_ =	sdelay $0x7  }
0x82: {  	[tilespmem:v8+s15+$0x0] =	vst.idx.msk $0xffff, v7  }
0x83: {  	v8 =	vld [tilespmem:$0x31E0];
	_ =	sdelay $0x7  }
0x84: {  	[tilespmem:v8+s15+$0x0] =	vst.idx.msk $0xffff, v7  }
0x85: {  	v8 =	vld [tilespmem:$0x31F0];
	_ =	sdelay $0x7  }
0x86: {  	[tilespmem:v8+s15+$0x0] =	vst.idx.msk $0xffff, v7  }
0x87: {  	v8 =	vld [tilespmem:$0x3200];
	_ =	sdelay $0x7  }
0x88: {  	[tilespmem:v8+s15+$0x0] =	vst.idx.msk $0xffff, v7  }
0x89: {  	v8 =	vld [tilespmem:$0x3210];
	_ =	sdelay $0x7  }
0x8a: {  	[tilespmem:v8+s15+$0x0] =	vst.idx.msk $0xffff, v7  }
0x8b: {  	v8 =	vld [tilespmem:$0x3220];
	_ =	sdelay $0x7  }
0x8c: {  	[tilespmem:v8+s15+$0x0] =	vst.idx.msk $0xffff, v7  }
0x8d: {  	v8 =	vld [tilespmem:$0x3230];
	_ =	sdelay $0x7  }
0x8e: {  	[tilespmem:v8+s15+$0x0] =	vst.idx.msk $0xffff, v7  }
0x8f: {  	v8 =	vld [tilespmem:$0x3240];
	_ =	sdelay $0x7  }
0x90: {  	[tilespmem:v8+s15+$0x0] =	vst.idx.msk $0xffff, v7  }
0x91: {  	v8 =	vld [tilespmem:$0x3250];
	_ =	sdelay $0x7  }
0x92: {  	[tilespmem:v8+s15+$0x0] =	vst.idx.msk $0xffff, v7  }
0x93: {  	v8 =	vld [tilespmem:$0x3260];
	_ =	sdelay $0x7  }
0x94: {  	[tilespmem:v8+s15+$0x0] =	vst.idx.msk $0xffff, v7  }
0x95: {  	v8 =	vld [tilespmem:$0x3270];
	_ =	sdelay $0x7  }
0x96: {  	s26 =	simm.s32 $0x0;
	[tilespmem:v8+s15+$0x0] =	vst.idx.msk $0xffff, v7  }
0x97: {  	v8 =	vld [tilespmem:s26+$0x0]  }
0x98: {  	v9 =	vld [tilespmem:s26+$0x800];
	_ =	sdelay $0x3  }
0x99: {  	vm10 =	vlt.f32 v8, $-6.744999880e-01  }
0x9a: {  	vm13 =	vgt.f32 v9, $0.0e+00;
	vm14 =	vmneg vm10  }
0x9b: {  	vm11 =	vlt.f32 v8, $0.0e+00;
	vm0 =	vmand vm10, vm13;
	vm4 =	vmand vm13, vm14  }
0x9c: {  	v9 =	vmpcnt.ones.xlane vm0;
	vm1 =	vmand vm11, vm4  }
0x9d: {  	v4 =	vadd.f32 v10, v4;
	v10 =	vmpcnt.ones.xlane vm1  }
0x9e: {  	s25 =	simm.s32 $0x0;
	vm15 =	vmneg vm11;
	(v2sf) =	vpush v9, $0x0  }
0x9f: {  	s20 =	spop (v2sf);
	vm12 =	vlt.f32 v8, $6.744999880e-01;
	vm5 =	vmand vm13, vm15;
	[tilespmem:s25+$0x1000] =	vst.msk vm0, v8;
	(v2sf) =	vpush v10, $0x0  }
0xa0: {  	vm2 =	vmneg vm12;
	vm8 =	vmand vm12, vm5;
	[tilespmem:s25+$0x1860] =	vst.msk vm1, v8  }
0xa1: {  	vm2 =	vmand vm13, vm2;
	v11 =	vmpcnt.ones.xlane vm8;
	[tilespmem:s25+$0x20C0] =	vst.msk vm8, v8  }
0xa2: {  	s22 =	spop (v2sf);
	v9 =	vmpcnt.ones.xlane vm2;
	[tilespmem:s25+$0x2920] =	vst.msk vm2, v8  }
0xa3: {  	s23 =	spop (v2sf);
	(v2sf) =	vpush v11, $0x0;
	v11 =	vld [tilespmem:s26+$0x10]  }
0xa4: {  	s24 =	spop (v2sf);
	(v2sf) =	vpush v9, $0x0;
	v9 =	vld [tilespmem:s26+$0x810]  }
0xa5: {  	v12 =	vnsel vm0, $0x0, v8  }
0xa6: {  	v12 =	vadd.f32 v12, v7;
	v13 =	vnsel vm1, $0x0, v8;
	v10 =	vnsel vm8, $0x0, v8  }
0xa7: {  	v13 =	vadd.f32 v13, v7;
	v8 =	vnsel vm2, $0x0, v8;
	v10 =	vadd.f32 v10, v7  }
0xa8: {  	v7 =	vadd.f32 v8, v7;
	vm9 =	vlt.f32 v11, $-6.744999880e-01;
	vm10 =	vlt.f32 v11, $0.0e+00  }
0xa9: {  	vm11 =	vlt.f32 v11, $6.744999880e-01;
	vm12 =	vgt.f32 v9, $0.0e+00;
	vm13 =	vmneg vm9  }
0xaa: {  	vm14 =	vmneg vm10;
	vm0 =	vmand vm9, vm12;
	vm4 =	vmand vm12, vm13  }
0xab: {  	vm15 =	vmand vm12, vm14;
	vm1 =	vmand vm10, vm4;
	v8 =	vmpcnt.ones.xlane vm0  }
0xac: {  	vm6 =	vmneg vm11;
	vm2 =	vmand vm11, vm15;
	v9 =	vmpcnt.ones.xlane vm1  }
0xad: {  	vm3 =	vmand vm12, vm6;
	v14 =	vmpcnt.ones.xlane vm2;
	(v2sf) =	vpush v8, $0x0;
	s28 =	spop (v2sf)  }
0xae: {  	v15 =	vmpcnt.ones.xlane vm3;
	s29 =	spop (v2sf);
	(v2sf) =	vpush v9, $0x0  }
0xaf: {  	(v2sf) =	vpush v14, $0x0  }
0xb0: {  	(v2sf) =	vpush v15, $0x0  }
0xb1: {  	s21 =	sadd.s32 s0, s23;
	s23 =	sadd.s32 s10, s22;
	s10 =	sadd.s32 $0x0, s28  }
0xb2: {  	s22 =	sadd.s32 s4, s24;
	v16 =	vnsel vm3, $0x0, v11;
	[tilespmem:s10+$0x1000] =	vst.msk vm0, v11;
	s24 =	sadd.s32 $0x0, s29;
	s30 =	spop (v2sf)  }
0xb3: {  	v7 =	vadd.f32 v16, v7;
	v8 =	vnsel vm2, $0x0, v11;
	s18 =	sadd.s32 $0x0, s30;
	[tilespmem:s24+$0x1860] =	vst.msk vm1, v11;
	s31 =	spop (v2sf)  }
0xb4: {  	v8 =	vadd.f32 v8, v10;
	v10 =	vnsel vm0, $0x0, v11;
	v9 =	vnsel vm1, $0x0, v11;
	s16 =	sadd.s32 $0x0, s31;
	[tilespmem:s18+$0x20C0] =	vst.msk vm2, v11  }
0xb5: {  	s20 =	sadd.s32 s1, s20;
	s1 =	simm.s32 $0x20;
	s0 =	simm.s32 $0x100;
	v10 =	vadd.f32 v10, v12;
	v9 =	vadd.f32 v9, v13;
	[tilespmem:s16+$0x2920] =	vst.msk vm3, v11  }
.LBB2_6:
0xb6: {  	p0 =	sne.s32 s0, $0x1F80;
	v11 =	vld [tilespmem:s1+$0x0];
	s4 =	smov.u32 s0;
	s0 =	sadd.s32 $0x80, s0  }
0xb7: {  	v12 =	vld [tilespmem:s1+$0x800];
	_ =	sdelay $0x3  }
0xb8: {  	vm0 =	vlt.f32 v11, $-6.744999880e-01;
	vm1 =	vlt.f32 v11, $0.0e+00;
	vm2 =	vlt.f32 v11, $6.744999880e-01  }
0xb9: {  	vm3 =	vgt.f32 v12, $0.0e+00;
	vm4 =	vmneg vm0;
	vm5 =	vmneg vm1;
	s11 =	spop (v2sf)  }
0xba: {  	vm0 =	vmand vm0, vm3;
	vm4 =	vmand vm3, vm4;
	vm5 =	vmand vm3, vm5;
	s10 =	sadd.s32 s10, s11;
	s11 =	spop (v2sf)  }
0xbb: {  	vm1 =	vmand vm1, vm4;
	vm4 =	vmand vm2, vm5;
	[tilespmem:s10+$0x1000] =	vst.msk vm0, v11;
	v12 =	vmpcnt.ones.xlane vm0;
	s11 =	sadd.s32 s24, s11;
	s24 =	spop (v2sf)  }
0xbc: {  	vm2 =	vmneg vm2;
	[tilespmem:s11+$0x1860] =	vst.msk vm1, v11;
	v13 =	vmpcnt.ones.xlane vm1;
	v14 =	vmpcnt.ones.xlane vm4;
	s18 =	sadd.s32 s18, s24;
	s24 =	spop (v2sf)  }
0xbd: {  	vm2 =	vmand vm3, vm2;
	v15 =	vnsel vm4, $0x0, v11;
	[tilespmem:s18+$0x20C0] =	vst.msk vm4, v11;
	(v2sf) =	vpush v12, $0x0;
	s16 =	sadd.s32 s16, s24  }
0xbe: {  	v12 =	vmpcnt.ones.xlane vm2;
	v16 =	vnsel vm2, $0x0, v11;
	[tilespmem:s16+$0x2920] =	vst.msk vm2, v11;
	(v2sf) =	vpush v13, $0x0  }
0xbf: {  	v13 =	vnsel vm0, $0x0, v11;
	v11 =	vnsel vm1, $0x0, v11;
	v17 =	vld [tilespmem:s1+$0x10];
	(v2sf) =	vpush v14, $0x0  }
0xc0: {  	v14 =	vld [tilespmem:s1+$0x810];
	(v2sf) =	vpush v12, $0x0;
	_ =	sdelay $0x1  }
0xc1: {  	v10 =	vadd.f32 v13, v10;
	v9 =	vadd.f32 v11, v9  }
0xc2: {  	v8 =	vadd.f32 v15, v8;
	v7 =	vadd.f32 v16, v7  }
0xc3: {  	vm0 =	vlt.f32 v17, $-6.744999880e-01;
	vm1 =	vlt.f32 v17, $0.0e+00;
	vm2 =	vlt.f32 v17, $6.744999880e-01  }
0xc4: {  	vm4 =	vgt.f32 v14, $0.0e+00;
	vm5 =	vmneg vm0;
	vm6 =	vmneg vm1  }
0xc5: {  	vm7 =	vmneg vm2;
	vm3 =	vmand vm0, vm4;
	vm0 =	vmand vm4, vm5  }
0xc6: {  	vm1 =	vmand vm1, vm0;
	vm0 =	vmand vm4, vm6;
	v11 =	vmpcnt.ones.xlane vm3  }
0xc7: {  	vm2 =	vmand vm2, vm0;
	vm0 =	vmand vm4, vm7;
	v12 =	vmpcnt.ones.xlane vm1  }
0xc8: {  	s1 =	sshra.s32 s4, $0x2;
	v13 =	vmpcnt.ones.xlane vm2;
	v14 =	vmpcnt.ones.xlane vm0;
	(v2sf) =	vpush v11, $0x0  }
0xc9: {  	v11 =	vnsel vm2, $0x0, v17;
	v15 =	vnsel vm0, $0x0, v17;
	(v2sf) =	vpush v12, $0x0  }
0xca: {  	v12 =	vnsel vm1, $0x0, v17;
	v8 =	vadd.f32 v11, v8;
	(v2sf) =	vpush v13, $0x0  }
0xcb: {  	v11 =	vnsel vm3, $0x0, v17;
	v7 =	vadd.f32 v15, v7;
	s4 =	spop (v2sf);
	(v2sf) =	vpush v14, $0x0  }
.Ltmp4:
0xcc: {  	v10 =	vadd.f32 v11, v10;
	v9 =	vadd.f32 v12, v9;
	s10 =	sadd.s32 s10, s4;
	s4 =	spop (v2sf);
	(pc) =	sbr.rel @p0 .LBB2_6-.Ltmp4, $4  }
0xcd: {  	s24 =	sadd.s32 s11, s4;
	[tilespmem:s10+$0x1000] =	vst.msk vm3, v17;
	s4 =	spop (v2sf)  }
0xce: {  	s18 =	sadd.s32 s18, s4;
	[tilespmem:s24+$0x1860] =	vst.msk vm1, v17;
	s4 =	spop (v2sf)  }
0xcf: {  	s16 =	sadd.s32 s16, s4;
	[tilespmem:s18+$0x20C0] =	vst.msk vm2, v17  }
0xd0: {  	[tilespmem:s16+$0x2920] =	vst.msk vm0, v17  }
0xd1: {  	v11 =	vld [tilespmem:s1+$0x0]  }
0xd2: {  	v12 =	vld [tilespmem:s1+$0x800];
	_ =	sdelay $0x3  }
0xd3: {  	vm0 =	vlt.f32 v11, $-6.744999880e-01  }
0xd4: {  	vm1 =	vlt.f32 v11, $0.0e+00;
	vm2 =	vgt.f32 v12, $0.0e+00;
	vm3 =	vmneg vm0;
	s0 =	spop (v2sf)  }
0xd5: {  	vm4 =	vmneg vm1;
	vm0 =	vmand vm0, vm2;
	vm3 =	vmand vm2, vm3;
	s11 =	sadd.s32 s10, s0;
	s10 =	spop (v2sf)  }
0xd6: {  	vm5 =	vlt.f32 v11, $6.744999880e-01;
	vm4 =	vmand vm2, vm4;
	vm1 =	vmand vm1, vm3;
	[tilespmem:s11+$0x1000] =	vst.msk vm0, v11;
	s10 =	sadd.s32 s24, s10;
	s24 =	spop (v2sf)  }
0xd7: {  	vm15 =	vmneg vm5;
	vm14 =	vmand vm5, vm4;
	[tilespmem:s10+$0x1860] =	vst.msk vm1, v11;
	s4 =	sadd.s32 s18, s24;
	s25 =	spop (v2sf)  }
0xd8: {  	vm4 =	vmand vm2, vm15;
	[tilespmem:s4+$0x20C0] =	vst.msk vm14, v11;
	s0 =	sadd.s32 s16, s25  }
0xd9: {  	[tilespmem:s0+$0x2920] =	vst.msk vm4, v11  }
0xda: {  	v43 =	vld [tilespmem:s1+$0x10]  }
0xdb: {  	v13 =	vld [tilespmem:s1+$0x810];
	_ =	sdelay $0x3  }
0xdc: {  	v14 =	vmpcnt.ones.xlane vm0  }
0xdd: {  	v16 =	vnsel vm0, $0x0, v11;
	vm8 =	vlt.f32 v43, $-6.744999880e-01;
	vm9 =	vgt.f32 v13, $0.0e+00  }
0xde: {  	v10 =	vadd.f32 v16, v10;
	v15 =	vmpcnt.ones.xlane vm1;
	vm10 =	vmand vm8, vm9  }
0xdf: {  	(v2sf) =	vpush v14, $0x0;
	v45 =	vmpcnt.ones.xlane vm14;
	v44 =	vnsel vm10, $0x0, v43  }
0xe0: {  	v46 =	vnsel vm1, $0x0, v11;
	vm2 =	vmneg vm8;
	v10 =	vadd.f32 v44, v10  }
0xe1: {  	(xrf2) =	vadd.scan.msk.f32 $0xffff, v6;
	v47 =	vmpcnt.ones.xlane vm4;
	vm6 =	vlt.f32 v43, $0.0e+00;
	vm11 =	vmand vm9, vm2  }
0xe2: {  	v48 =	vnsel vm14, $0x0, v11;
	v9 =	vadd.f32 v46, v9;
	vm1 =	vmand vm6, vm11;
	(xrf2) =	vadd.scan.msk.f32 $0xffff, v10  }
0xe3: {  	v8 =	vadd.f32 v48, v8;
	(v2sf) =	vpush v15, $0x0;
	v49 =	vnsel vm1, $0x0, v43  }
0xe4: {  	(v2sf) =	vpush v45, $0x0;
	vm12 =	vmneg vm6;
	v50 =	vadd.f32 v49, v9  }
0xe5: {  	(v2sf) =	vpush v47, $0x0;
	vm13 =	vlt.f32 v43, $6.744999880e-01;
	vm2 =	vmand vm9, vm12;
	(xrf2) =	vadd.scan.msk.f32 $0xffff, v5  }
0xe6: {  	vm14 =	vmneg vm13;
	v51 =	vmpcnt.ones.xlane vm10;
	vm2 =	vmand vm13, vm2;
	(xrf2) =	vadd.scan.msk.f32 $0xffff, v50  }
0xe7: {  	vm15 =	vmand vm9, vm14;
	v52 =	vmpcnt.ones.xlane vm1;
	v53 =	vnsel vm2, $0x0, v43  }
0xe8: {  	v54 =	vmpcnt.ones.xlane vm2;
	(v2sf) =	vpush v51, $0x0;
	v55 =	vadd.f32 v53, v8  }
0xe9: {  	v56 =	vnsel vm4, $0x0, v11;
	v57 =	vmpcnt.ones.xlane vm15;
	(v2sf) =	vpush v52, $0x0;
	(xrf2) =	vadd.scan.msk.f32 $0xffff, v4  }
0xea: {  	v58 =	vadd.f32 v56, v7;
	(v2sf) =	vpush v54, $0x0;
	(xrf2) =	vadd.scan.msk.f32 $0xffff, v55  }
0xeb: {  	v60, _, _ =	vpop (xrf2);
	v59 =	vnsel vm15, $0x0, v43;
	(v2sf) =	vpush v57, $0x0  }
0xec: {  	v4 =	vadd.f32 v59, v58;
	(v2sf) =	vpush v60, $0xF;
	v61, _, _ =	vpop (xrf2)  }
0xed: {  	(xrf2) =	vadd.scan.msk.f32 $0xffff, v3;
	(v2sf) =	vpush v61, $0xF  }
0xee: {  	(xrf2) =	vadd.scan.msk.f32 $0xffff, v4  }
0xef: {  	v3, _, _ =	vpop (xrf2)  }
0xf0: {  	v62, _, _ =	vpop (xrf2);
	(v2sf) =	vpush v3, $0xF  }
0xf1: {  	(v2sf) =	vpush v62, $0xF;
	_ =	sdelay $0x1  }
0xf2: {  	s26 =	spop (v2sf);
	v3, _, _ =	vpop (xrf2)  }
0xf3: {  	s16 =	spop (v2sf);
	v63, _, _ =	vpop (xrf2);
	(v2sf) =	vpush v3, $0xF  }
0xf4: {  	s18 =	spop (v2sf);
	(v2sf) =	vpush v63, $0xF  }
0xf5: {  	s24 =	spop (v2sf)  }
0xf6: {  	s25 =	spop (v2sf);
	v3, _, _ =	vpop (xrf2)  }
0xf7: {  	s1 =	sadd.s32 s11, s26;
	s11 =	spop (v2sf);
	(v2sf) =	vpush v3, $0xF;
	v3, _, _ =	vpop (xrf2)  }
0xf8: {  	s26 =	spop (v2sf);
	(v2sf) =	vpush v3, $0xF  }
0xf9: {  	[smem:$0x0] =	sst s20;
	s25 =	sadd.s32 s1, s25;
	s28 =	spop (v2sf)  }
0xfa: {  	[smem:$0x4] =	sst s25;
	s30 =	spop (v2sf)  }
0xfb: {  	[smem:$0x80] =	sst s30;
	s31 =	spop (v2sf)  }
0xfc: {  	s10 =	sadd.s32 s10, s16;
	[smem:$0x84] =	sst s31  }
0xfd: {  	s11 =	sadd.s32 s10, s11;
	[smem:$0x1] =	sst s23  }
0xfe: {  	s30 =	spop (v2sf);
	[smem:$0x5] =	sst s11  }
0xff: {  	s31 =	spop (v2sf);
	[smem:$0x81] =	sst s30  }
0x100: {  	s4 =	sadd.s32 s4, s18;
	[smem:$0x85] =	sst s31  }
0x101: {  	s16 =	sadd.s32 s4, s26;
	[smem:$0x2] =	sst s21  }
0x102: {  	s18 =	spop (v2sf);
	[smem:$0x6] =	sst s16  }
0x103: {  	s25 =	spop (v2sf);
	[smem:$0x82] =	sst s18  }
0x104: {  	s0 =	sadd.s32 s0, s24;
	[smem:$0x86] =	sst s25  }
0x105: {  	s26 =	sadd.s32 s0, s28;
	[smem:$0x3] =	sst s22  }
0x106: {  	s30 =	spop (v2sf);
	[smem:$0x7] =	sst s26  }
0x107: {  	[smem:$0x83] =	sst s30;
	s31 =	spop (v2sf)  }
0x108: {  	[tilespmem:s1+$0x1000] =	vst.msk vm10, v43;
	[smem:$0x87] =	sst s31  }
0x109: {  	[tilespmem:s10+$0x1860] =	vst.msk vm1, v43;
	s11 =	sld [smem:$0x0]  }
0x10a: {  	[tilespmem:s4+$0x20C0] =	vst.msk vm2, v43  }
0x10b: {  	[tilespmem:s0+$0x2920] =	vst.msk vm15, v43;
	s16 =	sld [smem:$0x4]  }
0x10c: {  	[tilespmem:s11+$0x3280] =	vst v0  }
0x10d: {  	[tilespmem:s11+$0x3290] =	vst v0  }
0x10e: {  	s18 =	sld [smem:$0x1];
	[tilespmem:s16+$0x1000] =	vst v1  }
0x10f: {  	[tilespmem:s16+$0x1010] =	vst v1  }
0x110: {  	s24 =	sld [smem:$0x5];
	[tilespmem:s16+$0x1020] =	vst v1  }
0x111: {  	[tilespmem:s18+$0x3330] =	vst v0  }
0x112: {  	[tilespmem:s18+$0x3340] =	vst v0  }
0x113: {  	s25 =	sld [smem:$0x2];
	[tilespmem:s24+$0x1860] =	vst v1  }
0x114: {  	[tilespmem:s24+$0x1870] =	vst v1  }
0x115: {  	s26 =	sld [smem:$0x6];
	[tilespmem:s24+$0x1880] =	vst v1  }
0x116: {  	[tilespmem:s25+$0x33E0] =	vst v0  }
0x117: {  	[tilespmem:s25+$0x33F0] =	vst v0  }
0x118: {  	s30 =	sld [smem:$0x3];
	[tilespmem:s26+$0x20C0] =	vst v1  }
0x119: {  	[tilespmem:s26+$0x20D0] =	vst v1  }
0x11a: {  	s31 =	sld [smem:$0x7];
	[tilespmem:s26+$0x20E0] =	vst v1  }
.Ltmp5:
0x11b: {  	[tilespmem:s30+$0x3490] =	vst v0;
	(pc) =	sbr.rel .LBB2_8-.Ltmp5, $4  }
0x11c: {  	[tilespmem:s30+$0x34A0] =	vst v0  }
0x11d: {  	[tilespmem:s31+$0x2920] =	vst v1  }
0x11e: {  	s29 =	simm.s32 $0x1010;
	s28 =	simm.f32 $0.0e+00;
	[tilespmem:s31+$0x2930] =	vst v1  }
0x11f: {  	v22 =	vimm.f32 $0.0e+00;
	v18 =	vimm.f32 $0.0e+00;
	s24 =	simm.f32 $0.0e+00;
	s25 =	simm.f32 $0.0e+00;
	s26 =	simm.s32 $0x0;
	[tilespmem:s31+$0x2940] =	vst v1  }
.LBB2_15:
0x120: {  	s26 =	sadd.s32 $0x1, s26  }
0x121: {  	s0 =	scvt.s32.f32 s0;
	s1 =	smul.f32 s1, s24;
	p0 =	sne.s32 s26, $0x4  }
.Ltmp6:
0x122: {  	s4 =	scvt.s32.f32 s30;
	(pc) =	sbr.rel @!p0 .LBB2_16-.Ltmp6, $4  }
0x123: {  	s24 =	sadd.f32 s0, s24  }
0x124: {  	s4 =	smul.f32 s4, s28;
	s1 =	sadd.f32 s1, s25  }
0x125: {  	s28 =	sadd.f32 s31, s28  }
0x126: {  	s29 =	sadd.s32 $0x860, s29;
	s25 =	ssub.f32 s1, s4  }
.LBB2_8:
0x127: {  	s30 =	sld [smem:s26+$0x0];
	_ =	sdelay $0x2  }
0x128: {  	s0 =	sadd.s32 $0xF, s30  }
0x129: {  	s1 =	sand.u32 $0xF, s0  }
0x12a: {  	s4 =	sshra.s32 s0, $0x1F;
	p0 =	slt.s32 s0, $0x1;
	p1 =	sne.s32 s1, $0x0  }
0x12b: {  	s16 =	sshrl.u32 s4, $0x1C;
	p0 =	por !p0, !p1  }
0x12c: {  	s1 =	simm.s32 $0x1;
	s0 =	sadd.s32 s16, s0;
	p0 =	por !p0, !p0  }
0x12d: {  	s10 =	sshra.s32 s0, $0x4;
	s1 =	simm.s32 @!p0 $0x0  }
0x12e: {  	s10 =	ssub.s32 s10, s1  }
0x12f: {  	p0 =	slt.s32 s10, $0x1  }
.Ltmp7:
0x130: {  	_ = 	snop;
	(pc) =	sbr.rel @p0 .LBB2_15-.Ltmp7, $4  }
0x131: {  	s18 =	sor.u32 $0x4, s26  }
0x132: {  	s0 =	sld [smem:s18+$0x0]  }
0x133: {  	s1 =	sld [smem:s26+$0x80]  }
0x134: {  	s31 =	sld [smem:s26+$0x84]  }
0x135: {  	s4 =	sadd.s32 $0x1F, s0  }
0x136: {  	s18 =	smul.u32 $0x2C0, s26;
	s11 =	sand.u32 $0x1F, s4  }
0x137: {  	s16 =	sshra.s32 s4, $0x1F;
	p0 =	slt.s32 s4, $0x1;
	p1 =	sne.s32 s11, $0x0  }
.Ltmp8:
0x138: {  	s16 =	sshrl.u32 s16, $0x1B;
	p0 =	por !p0, !p1;
	(pc) =	sbr.rel .LBB2_10-.Ltmp8, $4  }
0x139: {  	s11 =	simm.s32 $0x1;
	s4 =	sadd.s32 s16, s4;
	p0 =	por !p0, !p0  }
0x13a: {  	s16 =	sshra.s32 s18, $0x2;
	s4 =	sshra.s32 s4, $0x5;
	s11 =	simm.s32 @!p0 $0x0  }
0x13b: {  	s18 =	sadd.s32 $0x3280, s16;
	s11 =	ssub.s32 s4, s11  }
0x13c: {  	s16 =	simm.s32 $0x0;
	v3 =	vmov s18;
	p0 =	slt.s32 s11, $0x1  }
.LBB2_13:
0x13d: {  	v4 =	vadd.f32 v28, v24  }
0x13e: {  	v5 =	vmax.f32 v22, $0.0e+00  }
0x13f: {  	v4 =	vadd.f32 v4, v5  }
0x140: {  	v6 =	vmax.f32 v23, $0.0e+00;
	v5 =	vsub.f32 v12, v17  }
0x141: {  	v4 =	vadd.f32 v4, v6  }
0x142: {  	v61 =	vsub.f32 v14, v17;
	v5 =	vmax.f32 v5, $0.0e+00  }
0x143: {  	v7 =	vadd.f32 v25, v27;
	v4 =	vadd.f32 v4, v5  }
0x144: {  	v8 =	vsub.f32 v18, v17;
	v6 =	vmax.f32 v61, $0.0e+00;
	v5 =	vmax.f32 v26, $0.0e+00  }
0x145: {  	v5 =	vadd.f32 v7, v5;
	v4 =	vadd.f32 v4, v6  }
0x146: {  	v62 =	vmax.f32 v21, $0.0e+00;
	v63 =	vmax.f32 v8, $0.0e+00  }
0x147: {  	v18 =	vadd.f32 v5, v62;
	v22 =	vadd.f32 v4, v63  }
.LBB2_14:
0x148: {  	s16 =	sadd.s32 $0x1, s16  }
0x149: {  	p1 =	sne.s32 s16, s10  }
.Ltmp9:
0x14a: {  	_ = 	snop;
	(pc) =	sbr.rel @!p1 .LBB2_15-.Ltmp9, $1  }
0x14b: {  	_ =	sdelay $0x3  }
.LBB2_10:
.Ltmp10:
0x14c: {  	(pc) =	sbr.rel @p0 .LBB2_14-.Ltmp10, $1  }
0x14d: {  	_ =	sdelay $0x3  }
0x14e: {  	_ =	sdelay $0x1  }
0x14f: {  	s4 =	sshll.u32 s16, $0x6  }
0x150: {  	s4 =	sshra.s32 s4, $0x2  }
0x151: {  	v21 =	vld.idx.msk [tilespmem:v3+s4+$0x0 ss:$0x1], $0xffff;
	_ =	sdelay $0x4  }
0x152: {  	v23 =	vld [tilespmem:s29+$0xFFFFFFF0];
	v4 =	vbroadcast v21, $0x0;
	v5 =	vbroadcast v21, $0x1  }
0x153: {  	v6 =	vbroadcast v21, $0x2;
	v7 =	vbroadcast v21, $0x3  }
0x154: {  	v8 =	vbroadcast v21, $0x4;
	v9 =	vbroadcast v21, $0x5  }
0x155: {  	v17 =	vld [tilespmem:s29+$0x0];
	v10 =	vbroadcast v21, $0x6;
	v11 =	vbroadcast v21, $0x7  }
0x156: {  	v13 =	vbroadcast v21, $0x8;
	v16 =	vbroadcast v21, $0xA  }
0x157: {  	v15 =	vbroadcast v21, $0x9;
	v14 =	vsub.f32 v4, v23;
	v20 =	vsub.f32 v6, v23  }
0x158: {  	v12 =	vbroadcast v21, $0xB;
	v25 =	vsub.f32 v16, v23;
	v27 =	vsub.f32 v7, v23  }
0x159: {  	v28 =	vsub.f32 v5, v23;
	v29 =	vsub.f32 v10, v23;
	v24 =	vmax.f32 v14, $0.0e+00  }
0x15a: {  	v19 =	vbroadcast v21, $0xC;
	v30 =	vsub.f32 v4, v17;
	v18 =	vadd.f32 v24, v18  }
0x15b: {  	v31 =	vsub.f32 v11, v23;
	v26 =	vmax.f32 v20, $0.0e+00;
	v24 =	vsub.f32 v8, v23  }
0x15c: {  	v14 =	vbroadcast v21, $0xD;
	v20 =	vbroadcast v21, $0xE;
	v26 =	vadd.f32 v18, v26  }
0x15d: {  	v28 =	vmax.f32 v28, $0.0e+00;
	v27 =	vmax.f32 v27, $0.0e+00;
	v24 =	vmax.f32 v24, $0.0e+00  }
0x15e: {  	v22 =	vadd.f32 v28, v22;
	v18 =	vbroadcast v21, $0xF;
	v21 =	vadd.f32 v26, v24  }
0x15f: {  	v28 =	vsub.f32 v9, v23;
	v24 =	vsub.f32 v13, v23;
	v26 =	vmax.f32 v29, $0.0e+00  }
0x160: {  	v22 =	vadd.f32 v22, v27;
	v26 =	vadd.f32 v21, v26  }
0x161: {  	v27 =	vmax.f32 v28, $0.0e+00;
	v28 =	vsub.f32 v15, v23;
	v24 =	vmax.f32 v24, $0.0e+00  }
0x162: {  	v29 =	vsub.f32 v13, v17;
	v24 =	vadd.f32 v26, v24  }
0x163: {  	v25 =	vmax.f32 v25, $0.0e+00;
	v22 =	vadd.f32 v22, v27;
	v26 =	vsub.f32 v19, v23  }
0x164: {  	v27 =	vmax.f32 v31, $0.0e+00;
	v31 =	vsub.f32 v12, v23;
	v24 =	vadd.f32 v24, v25  }
0x165: {  	v22 =	vadd.f32 v22, v27;
	v25 =	vmax.f32 v26, $0.0e+00;
	v26 =	vsub.f32 v20, v23  }
0x166: {  	v21 =	vsub.f32 v20, v17;
	v27 =	vmax.f32 v28, $0.0e+00;
	v24 =	vadd.f32 v24, v25  }
0x167: {  	v28 =	vsub.f32 v14, v23;
	v22 =	vadd.f32 v22, v27;
	v25 =	vmax.f32 v26, $0.0e+00  }
0x168: {  	v27 =	vsub.f32 v6, v17;
	v24 =	vadd.f32 v24, v25  }
0x169: {  	v23 =	vsub.f32 v18, v23;
	v25 =	vmax.f32 v30, $0.0e+00;
	v30 =	vmax.f32 v31, $0.0e+00  }
0x16a: {  	v28 =	vmax.f32 v28, $0.0e+00;
	v22 =	vadd.f32 v22, v30;
	v24 =	vadd.f32 v24, v25  }
0x16b: {  	v27 =	vmax.f32 v27, $0.0e+00;
	v26 =	vsub.f32 v5, v17;
	v30 =	vsub.f32 v8, v17  }
0x16c: {  	v23 =	vmax.f32 v23, $0.0e+00;
	v22 =	vadd.f32 v22, v28;
	v24 =	vadd.f32 v24, v27  }
0x16d: {  	v25 =	vsub.f32 v7, v17;
	v28 =	vsub.f32 v10, v17;
	v27 =	vmax.f32 v30, $0.0e+00  }
0x16e: {  	p1 =	sne.s32 s11, $0x1;
	v26 =	vmax.f32 v26, $0.0e+00;
	v23 =	vadd.f32 v22, v23;
	v27 =	vadd.f32 v24, v27  }
.Ltmp11:
0x16f: {  	v28 =	vmax.f32 v28, $0.0e+00;
	v22 =	vsub.f32 v11, v17;
	v24 =	vsub.f32 v9, v17;
	(pc) =	sbr.rel @!p1 .LBB2_13-.Ltmp11, $4  }
0x170: {  	v26 =	vadd.f32 v23, v26;
	v27 =	vadd.f32 v27, v28  }
0x171: {  	v23 =	vmax.f32 v29, $0.0e+00;
	v29 =	vsub.f32 v16, v17;
	v28 =	vmax.f32 v25, $0.0e+00  }
0x172: {  	v24 =	vmax.f32 v24, $0.0e+00;
	v28 =	vadd.f32 v26, v28;
	v25 =	vadd.f32 v27, v23  }
0x173: {  	s18 =	sadd.s32 $0xFFFFFFFF, s11;
	s4 =	sadd.s32 $0x20, s29;
	v26 =	vsub.f32 v19, v17;
	v23 =	vsub.f32 v15, v17;
	v27 =	vmax.f32 v29, $0.0e+00  }
.LBB2_12:
0x174: {  	v29 =	vld [tilespmem:s4+$0xFFFFFFF0];
	p1 =	sne.s32 s18, $0x1;
	s18 =	sadd.s32 $0xFFFFFFFF, s18;
	v25 =	vadd.f32 v25, v27;
	v27 =	vsub.f32 v12, v17  }
0x175: {  	v24 =	vadd.f32 v28, v24;
	v26 =	vmax.f32 v26, $0.0e+00;
	v28 =	vsub.f32 v14, v17  }
0x176: {  	v22 =	vmax.f32 v22, $0.0e+00;
	v25 =	vadd.f32 v25, v26;
	v26 =	vsub.f32 v18, v17  }
0x177: {  	v22 =	vadd.f32 v24, v22;
	v17 =	vmax.f32 v21, $0.0e+00  }
0x178: {  	v21 =	vadd.f32 v25, v17  }
0x179: {  	v28 =	vmax.f32 v28, $0.0e+00;
	v24 =	vsub.f32 v4, v29;
	v25 =	vsub.f32 v8, v29  }
0x17a: {  	v23 =	vmax.f32 v23, $0.0e+00;
	v30 =	vsub.f32 v6, v29;
	v31 =	vsub.f32 v16, v29;
	v17 =	vld [tilespmem:s4+$0x0]  }
0x17b: {  	v22 =	vadd.f32 v22, v23;
	v32 =	vsub.f32 v7, v29;
	v24 =	vmax.f32 v24, $0.0e+00  }
0x17c: {  	v23 =	vsub.f32 v5, v29;
	v21 =	vadd.f32 v24, v21;
	v24 =	vmax.f32 v27, $0.0e+00  }
0x17d: {  	v27 =	vmax.f32 v30, $0.0e+00;
	v30 =	vmax.f32 v32, $0.0e+00;
	v22 =	vadd.f32 v22, v24  }
0x17e: {  	v23 =	vmax.f32 v23, $0.0e+00;
	v24 =	vsub.f32 v10, v29;
	v21 =	vadd.f32 v21, v27  }
0x17f: {  	v25 =	vmax.f32 v25, $0.0e+00;
	v27 =	vsub.f32 v4, v17;
	v22 =	vadd.f32 v22, v28  }
0x180: {  	v26 =	vmax.f32 v26, $0.0e+00;
	v21 =	vadd.f32 v21, v25;
	v25 =	vsub.f32 v13, v29  }
0x181: {  	v24 =	vmax.f32 v24, $0.0e+00;
	v28 =	vsub.f32 v13, v17;
	v22 =	vadd.f32 v22, v26  }
0x182: {  	v24 =	vadd.f32 v21, v24;
	v21 =	vsub.f32 v20, v17  }
0x183: {  	v25 =	vmax.f32 v25, $0.0e+00;
	v22 =	vadd.f32 v23, v22;
	v23 =	vsub.f32 v9, v29  }
0x184: {  	v26 =	vsub.f32 v11, v29;
	v24 =	vadd.f32 v24, v25  }
0x185: {  	v25 =	vmax.f32 v31, $0.0e+00;
	v22 =	vadd.f32 v22, v30;
	v30 =	vsub.f32 v19, v29  }
0x186: {  	v31 =	vsub.f32 v15, v29;
	v23 =	vmax.f32 v23, $0.0e+00;
	v24 =	vadd.f32 v24, v25  }
0x187: {  	v25 =	vsub.f32 v20, v29;
	v22 =	vadd.f32 v22, v23;
	v23 =	vmax.f32 v30, $0.0e+00  }
0x188: {  	v26 =	vmax.f32 v26, $0.0e+00;
	v30 =	vsub.f32 v12, v29;
	v23 =	vadd.f32 v24, v23  }
0x189: {  	v24 =	vmax.f32 v25, $0.0e+00;
	v25 =	vsub.f32 v5, v17;
	v22 =	vadd.f32 v22, v26  }
0x18a: {  	v26 =	vmax.f32 v31, $0.0e+00;
	v31 =	vsub.f32 v14, v29;
	v23 =	vadd.f32 v23, v24  }
0x18b: {  	v24 =	vmax.f32 v27, $0.0e+00;
	v22 =	vadd.f32 v22, v26;
	v26 =	vsub.f32 v6, v17  }
0x18c: {  	v27 =	vmax.f32 v30, $0.0e+00;
	v30 =	vsub.f32 v7, v17;
	v23 =	vadd.f32 v23, v24  }
0x18d: {  	v22 =	vadd.f32 v22, v27;
	v24 =	vmax.f32 v26, $0.0e+00;
	v26 =	vsub.f32 v8, v17  }
0x18e: {  	v29 =	vsub.f32 v18, v29;
	v27 =	vmax.f32 v31, $0.0e+00;
	v23 =	vadd.f32 v23, v24  }
0x18f: {  	v22 =	vadd.f32 v22, v27;
	v24 =	vmax.f32 v26, $0.0e+00;
	v26 =	vsub.f32 v10, v17  }
0x190: {  	v27 =	vmax.f32 v29, $0.0e+00;
	v23 =	vadd.f32 v23, v24;
	v24 =	vsub.f32 v9, v17  }
.Ltmp12:
0x191: {  	v27 =	vadd.f32 v22, v27;
	v26 =	vmax.f32 v26, $0.0e+00;
	v22 =	vsub.f32 v11, v17;
	(pc) =	sbr.rel @p1 .LBB2_12-.Ltmp12, $4  }
0x192: {  	v25 =	vmax.f32 v25, $0.0e+00;
	v24 =	vmax.f32 v24, $0.0e+00;
	v23 =	vadd.f32 v23, v26  }
0x193: {  	v26 =	vadd.f32 v27, v25;
	v25 =	vmax.f32 v28, $0.0e+00;
	v27 =	vsub.f32 v16, v17  }
0x194: {  	v28 =	vmax.f32 v30, $0.0e+00;
	v25 =	vadd.f32 v23, v25;
	v23 =	vsub.f32 v15, v17  }
0x195: {  	s4 =	sadd.s32 $0x20, s4;
	v28 =	vadd.f32 v26, v28;
	v27 =	vmax.f32 v27, $0.0e+00;
	v26 =	vsub.f32 v19, v17  }
.Ltmp13:
0x196: {  	_ = 	snop;
	(pc) =	sbr.rel .LBB2_13-.Ltmp13, $1  }
0x197: {  	_ =	sdelay $0x3  }
.LBB2_17:
0x198: {  	_ =	sfence.sel $0x180000  }
0x199: {  	[bflag:$0x0] =	sbarrier.arrive $0xFFFF  }
0x19a: {  	_ =	strace $0x90000047  }
0x19b: {  	s0 =	stileid.u32;
	[bflag:$0x2] =	sbarrier.arrive $0xFFFF  }
0x19c: {  	p0 =	sne.s32 s0, $0x0;
	s0 =	rddreg [dreg:$0x3]  }
0x19d: {  	s0 =	sadd.s32 @!p0 $0x100000, s0  }
0x19e: {  	[sflag:s0] =	ssyncadd.tile.s32 @!p0 $0x1;
	_ =	shalt  }
.Lfunc_end2:
_tile_overlayer_lowered:
.L_overlay_start_2:
0x19f: {  	(tag) =	ssettag $0x2  }
0x1a0: {  	s0 =	rddreg [dreg:$0x0];
	s2 =	stileid.u32  }
0x1a1: {  	s1 =	rddreg [dreg:$0x1];
	p0 =	sne.s32 s2, $0x0  }
0x1a2: {  	s3 =	rddreg [dreg:$0x2];
	[bflag:$0x3] =	sbarrier.arrive $0xFFFF;
	s2 =	simm.s32 @!p0 $0x1C04  }
0x1a3: {  	[timem:s3], [sflag:s2] =	dma.local @!p0 [hbm:s0], s1  }
0x1a4: {  	s0 =	simm.s32 @!p0 $0x4  }
0x1a5: {  	_ =	swait.ge @!p0 [sflag:s0], s1  }
0x1a6: {  	s1 =	ssub.s32 @!p0 $0x0, s1;
	[sflag:s0] =	ssyncset.done @!p0 $0x0  }
0x1a7: {  	[sflag:s0] =	ssyncadd.s32 @!p0 s1  }
0x1a8: {  	[bflag:$0x3] =	sbarrier.arrive $0xFFFF  }
0x1a9: {  	_ =	shalt  }

</sc_bundles>
